<compile_context>
chip_gen: v7x
topology: tpu7x:2x2x1
jax: 0.10.2.dev20260603
libtpu: 0.0.44.dev20260713+nightly
codegen_flags: <defaults>
</compile_context>

<pallas_src>
import functools

import jax
import jax.numpy as jnp
from jax import lax
from jax.experimental import pallas as pl
from jax.experimental.pallas import tpu as pltpu
from jax.experimental.pallas import tpu_sc as plsc

EPS = 0.001



def _prep_body(x_pos_ref, slope_ref, y_bias_ref, xpad_ref, slopec_ref, icept_ref):
    x = x_pos_ref[...]
    s = slope_ref[...]
    yb = y_bias_ref[...]
    fb, k = x.shape

    slope_c = jnp.log(1.0 + jnp.exp(-jnp.abs(s))) + jnp.maximum(s, 0.0) + EPS

    a = x[:, :, None]
    b = x[:, None, :]
    ii = lax.broadcasted_iota(jnp.int32, (fb, k, k), 1)
    jj = lax.broadcasted_iota(jnp.int32, (fb, k, k), 2)
    prec = (a < b) | ((a == b) & (ii < jj))
    rank = jnp.sum(prec.astype(jnp.int32), axis=1)
    onehot = (rank[:, :, None] == jj).astype(jnp.float32)
    xs = jnp.sum(x[:, :, None] * onehot, axis=1)

    d = xs - jnp.concatenate([xs[:, :1], xs[:, :-1]], axis=1)
    t = d * slope_c[:, :k]
    col = lax.broadcasted_iota(jnp.int32, (fb, k), 1)
    t = jnp.where(col == 0, jnp.broadcast_to(xs[:, :1] + yb, (fb, k)), t)
    tri = (lax.broadcasted_iota(jnp.int32, (k, k), 0)
           <= lax.broadcasted_iota(jnp.int32, (k, k), 1)).astype(jnp.float32)
    y_pos = jax.lax.dot_general(t, tri, (((1,), (0,)), ((), ())),
                                preferred_element_type=jnp.float32,
                                precision=jax.lax.Precision.HIGHEST)

    inf_col = jnp.full((fb, 1), jnp.inf, jnp.float32)
    xpad_ref[...] = jnp.concatenate([xs, inf_col], axis=1)
    slopec_ref[...] = slope_c
    x_sel = jnp.concatenate([xs[:, :1], xs], axis=1)
    y_sel = jnp.concatenate([y_pos[:, :1], y_pos], axis=1)
    icept_ref[...] = y_sel - slope_c * x_sel


def _prep_tables(x_pos, slope, y_bias, interpret=False):
    f, k = x_pos.shape
    fb = 128
    grid = (f // fb,)
    out_shape = [jax.ShapeDtypeStruct((f, k + 1), jnp.float32)] * 3
    return pl.pallas_call(
        _prep_body,
        grid=grid,
        in_specs=[
            pl.BlockSpec((fb, k), lambda i: (i, 0)),
            pl.BlockSpec((fb, k + 1), lambda i: (i, 0)),
            pl.BlockSpec((fb, 1), lambda i: (i, 0)),
        ],
        out_specs=[pl.BlockSpec((fb, k + 1), lambda i: (i, 0))] * 3,
        out_shape=out_shape,
        interpret=interpret,
    )(x_pos, slope, y_bias)



def _sc_spline(v_hbm, xtab_hbm, stab_hbm, itab_hbm, out_hbm, slope_hbm,
               xtab, stab, itab, vin0, vin1, vout0, vout1, vslp0, vslp1,
               isem0, isem1, osem0, osem1,
               *, B, F, K, CG, RG, FW, RW, RCH, UNROLL):
    ns1 = K + 1
    tw = FW * ns1
    nc = 2
    wid = lax.axis_index("s") * nc + lax.axis_index("c")
    cg = wid % CG
    rg = wid // CG
    row0 = rg * RW
    col0 = cg * FW

    pltpu.sync_copy(xtab_hbm.at[pl.ds(cg * tw, tw)], xtab)
    pltpu.sync_copy(stab_hbm.at[pl.ds(cg * tw, tw)], stab)
    pltpu.sync_copy(itab_hbm.at[pl.ds(cg * tw, tw)], itab)

    lane = lax.iota(jnp.int32, 16)
    nch = RW // RCH
    nvec = RCH * FW // 16
    cmask = FW // 16 - 1
    cshift = (FW // 16).bit_length() - 1

    def in_slab(ch):
        return v_hbm.at[pl.ds(row0 + ch * RCH, RCH), pl.ds(col0, FW)]

    def compute(vin, vout, vslp):
        @plsc.parallel_loop(0, nvec, unroll=UNROLL)
        def _vec(t):
            c = t & cmask
            r = lax.shift_right_logical(t, cshift)
            v = vin[r, pl.ds(c * 16, 16)]
            p = lane + c * 16
            for step, off in ((16, 15), (8, 7), (4, 3), (2, 1), (1, 0)):
                xm = plsc.load_gather(xtab, [p + off * FW])
                p = jnp.where(xm < v, p + step * FW, p)
            xm = plsc.load_gather(xtab, [p])
            p = jnp.where(xm < v, p + FW, p)
            sl = plsc.load_gather(stab, [p])
            ic = plsc.load_gather(itab, [p])
            vout[r, pl.ds(c * 16, 16)] = ic + v * sl
            vslp[r, pl.ds(c * 16, 16)] = sl

    def start_out(ch, vout, vslp, osem):
        pltpu.async_copy(vout, out_hbm.at[pl.ds(row0 + ch * RCH, RCH),
                                          pl.ds(col0, FW)], osem)
        pltpu.async_copy(vslp, slope_hbm.at[pl.ds(row0 + ch * RCH, RCH),
                                            pl.ds(col0, FW)], osem)
    def wait_out(ch, vout, vslp, osem):
        pltpu.make_async_copy(vout, out_hbm.at[pl.ds(row0 + ch * RCH, RCH),
                                               pl.ds(col0, FW)], osem).wait()
        pltpu.make_async_copy(vslp, slope_hbm.at[pl.ds(row0 + ch * RCH, RCH),
                                                 pl.ds(col0, FW)], osem).wait()

    ng = nch // 2
    pltpu.async_copy(in_slab(0), vin0, isem0)

    def chunk_pair(g, _):
        c0 = 2 * g
        c1 = 2 * g + 1
        pltpu.async_copy(in_slab(c1), vin1, isem1)
        pltpu.make_async_copy(in_slab(c0), vin0, isem0).wait()

        @pl.when(g > 0)
        def _w0():
            wait_out(c0 - 2, vout0, vslp0, osem0)
        compute(vin0, vout0, vslp0)
        start_out(c0, vout0, vslp0, osem0)

        @pl.when(g + 1 < ng)
        def _s0():
            pltpu.async_copy(in_slab(c0 + 2), vin0, isem0)
        pltpu.make_async_copy(in_slab(c1), vin1, isem1).wait()

        @pl.when(g > 0)
        def _w1():
            wait_out(c1 - 2, vout1, vslp1, osem1)
        compute(vin1, vout1, vslp1)
        start_out(c1, vout1, vslp1, osem1)
        return _

    lax.fori_loop(0, ng, chunk_pair, 0)
    wait_out(nch - 2, vout0, vslp0, osem0)
    wait_out(nch - 1, vout1, vslp1, osem1)


def _sc_main(inputs, xflat, sflat, iflat):
    B, F = inputs.shape
    K = 32
    CG, RG = 4, 8
    FW = F // CG
    RW = B // RG
    RCH = 16
    UNROLL = 4
    tw = FW * (K + 1)

    mesh = plsc.VectorSubcoreMesh(core_axis_name="c", subcore_axis_name="s")
    body = functools.partial(
        _sc_spline, B=B, F=F, K=K, CG=CG, RG=RG, FW=FW, RW=RW, RCH=RCH,
        UNROLL=UNROLL)
    buf = lambda: pltpu.VMEM((RCH, FW), jnp.float32)
    return pl.kernel(
        body,
        out_type=(jax.ShapeDtypeStruct((B, F), jnp.float32),
                  jax.ShapeDtypeStruct((B, F), jnp.float32)),
        mesh=mesh,
        compiler_params=pltpu.CompilerParams(needs_layout_passes=False),
        scratch_types=[
            pltpu.VMEM((tw,), jnp.float32),
            pltpu.VMEM((tw,), jnp.float32),
            pltpu.VMEM((tw,), jnp.float32),
            buf(), buf(),
            buf(), buf(),
            buf(), buf(),
            pltpu.SemaphoreType.DMA,
            pltpu.SemaphoreType.DMA,
            pltpu.SemaphoreType.DMA,
            pltpu.SemaphoreType.DMA,
        ],
    )(inputs, xflat, sflat, iflat)


def kernel(inputs, x_pos, slope, y_bias):
    xpad, slope_c, icept = _prep_tables(x_pos, slope, y_bias)
    f, ns1 = xpad.shape
    cg, fw = 4, f // 4

    def regroup(t):
        return t.T.reshape(ns1, cg, fw).transpose(1, 0, 2).reshape(-1)

    out, slope_sel = _sc_main(
        inputs, regroup(xpad), regroup(slope_c), regroup(icept))
    return out, slope_sel

# --- scband reference (transcript-rebuilt; emitter-appended) ---
"""Pipeline reference for scband-piecewise-linear-activation-3831110828573 (READ-ONLY COPY).

The authoritative reference and input builder live on the scoring server;
editing this copy changes nothing except your own understanding.
"""

import jax, jax.numpy as jnp
import numpy as np

FEATURE = 2048
NUM_KNOT = 32
NUM_SPLINE = NUM_KNOT + 1
B = 16384
EPS = 0.001


def setup_inputs(seed: int = 0) -> dict:
    key = jax.random.key(seed)
    k1, k2 = jax.random.split(key, 2)
    inputs = jax.random.normal(k1, (B, FEATURE), dtype=jnp.float32)
    # learned parameters, per torch __init__: randn x_pos, ones slope, zeros y_bias
    x_pos = jax.random.normal(k2, (FEATURE, NUM_KNOT), dtype=jnp.float32)
    slope = jnp.ones((FEATURE, NUM_SPLINE), dtype=jnp.float32)
    y_bias = jnp.zeros((FEATURE, 1), dtype=jnp.float32)
    return {"inputs": inputs, "x_pos": x_pos, "slope": slope, "y_bias": y_bias}


def reference(inputs, x_pos, slope, y_bias):
    # slope constrained positive
    slope_c = jax.nn.softplus(slope) + EPS  # [F, K+1]
    # sorted knot x-positions per feature
    x_sorted = jnp.sort(x_pos, axis=1)  # [F, K]
    x_roll = jnp.roll(x_sorted, -1, axis=1)
    delta_x = x_roll - x_sorted
    delta_y = delta_x * slope_c[:, 1:]  # [F, K]
    tmp = jnp.concatenate([x_sorted[:, :1] + y_bias, delta_y[:, :-1]], axis=1)  # [F, K]
    y_pos = jnp.cumsum(tmp, axis=1)  # [F, K]
    # searchsorted per feature column: idx in [0, K]
    slope_idx = jax.vmap(
        lambda kn, v: jnp.searchsorted(kn, v, side='left'),
        in_axes=(0, 1), out_axes=1,
    )(x_sorted, inputs)  # [B, F]
    x_idx = jnp.maximum(slope_idx - 1, 0)  # relu(idx-1), in [0, K-1]
    # torch.gather(table[F, C], 1, idx[F, B]).T  ==  take_along_axis(table.T, idx[B, F], axis=0)
    slope_sel = jnp.take_along_axis(slope_c.T, slope_idx, axis=0)  # [B, F]
    x_sel = jnp.take_along_axis(x_sorted.T, x_idx, axis=0)  # [B, F]
    y_sel = jnp.take_along_axis(y_pos.T, x_idx, axis=0)  # [B, F]
    outputs = y_sel + (inputs - x_sel) * slope_sel
    # require_slope=True -> return (outputs, slope_selected)
    return (outputs, slope_sel)

if __name__ == "__main__":
    import jax
    _d = setup_inputs()
    print(jax.jit(kernel)(*tuple(_d.values())))

</pallas_src>

<mosaic_0001>
#map = affine_map<(d0, d1) -> (0, 0)>
#map1 = affine_map<(d0, d1) -> (0)>
module attributes {stable_mosaic.version = 14 : i64} {
  func.func @_sc_spline(%arg0: i32, %arg1: i32, %arg2: memref<16384x2048xf32, #tpu.memory_space<hbm>>, %arg3: memref<67584xf32, #tpu.memory_space<hbm>>, %arg4: memref<67584xf32, #tpu.memory_space<hbm>>, %arg5: memref<67584xf32, #tpu.memory_space<hbm>>, %arg6: memref<16384x2048xf32, #tpu.memory_space<hbm>>, %arg7: memref<16384x2048xf32, #tpu.memory_space<hbm>>, %arg8: memref<16896xf32, #tpu.memory_space<vmem>>, %arg9: memref<16896xf32, #tpu.memory_space<vmem>>, %arg10: memref<16896xf32, #tpu.memory_space<vmem>>, %arg11: memref<16x512xf32, #tpu.memory_space<vmem>>, %arg12: memref<16x512xf32, #tpu.memory_space<vmem>>, %arg13: memref<16x512xf32, #tpu.memory_space<vmem>>, %arg14: memref<16x512xf32, #tpu.memory_space<vmem>>, %arg15: memref<16x512xf32, #tpu.memory_space<vmem>>, %arg16: memref<16x512xf32, #tpu.memory_space<vmem>>, %arg17: memref<!tpu.dma_semaphore, #tpu.memory_space<semaphore_mem>>, %arg18: memref<!tpu.dma_semaphore, #tpu.memory_space<semaphore_mem>>, %arg19: memref<!tpu.dma_semaphore, #tpu.memory_space<semaphore_mem>>, %arg20: memref<!tpu.dma_semaphore, #tpu.memory_space<semaphore_mem>>) attributes {dimension_semantics = [#tpu.dimension_semantics<core_parallel>, #tpu.dimension_semantics<subcore_parallel>], iteration_bounds = array<i64: 2, 16>, scalar_prefetch = 0 : i64, scratch_operands = 13 : i64, tpu.core_type = #tpu.core_type<sc_vector_subcore>, window_params = [{transform_indices = #map}, {transform_indices = #map1}, {transform_indices = #map1}, {transform_indices = #map1}, {transform_indices = #map}, {transform_indices = #map}]} {
    %mul3A = arith.constant 2 : i32
    %mul3A_0 = arith.muli %arg1, %mul3A : i32
    %add3A = arith.addi %mul3A_0, %arg0 : i32
    %jit3A = arith.constant 4 : i32
    %eq3A = arith.constant 0 : i32
    %eq3A_1 = arith.cmpi eq, %jit3A, %eq3A : i32
    %jit3A_2 = arith.constant 1 : i32
    %select_n3A = arith.select %eq3A_1, %jit3A_2, %jit3A : i32
    %rem3A = arith.remsi %add3A, %select_n3A : i32
    %ne3A = arith.constant 0 : i32
    %ne3A_3 = arith.cmpi ne, %rem3A, %ne3A : i32
    %lt3A = arith.constant 0 : i32
    %lt3A_4 = arith.cmpi slt, %rem3A, %lt3A : i32
    %lt3A_5 = arith.constant 0 : i32
    %lt3A_6 = arith.cmpi slt, %select_n3A, %lt3A_5 : i32
    %ne3A_7 = arith.xori %lt3A_4, %lt3A_6 : i1
    %and3A = arith.andi %ne3A_7, %ne3A_3 : i1
    %add3A_8 = arith.addi %rem3A, %select_n3A : i32
    %select_n3A_9 = arith.select %and3A, %add3A_8, %rem3A : i32
    %jit3A_10 = arith.constant 4 : i32
    %div3A = arith.divsi %add3A, %jit3A_10 : i32
    %sign3A = arith.constant 0 : i32
    %sign3A_11 = arith.cmpi sgt, %add3A, %sign3A : i32
    %sign3A_12 = arith.extui %sign3A_11 : i1 to i32
    %sign3A_13 = arith.constant 0 : i32
    %sign3A_14 = arith.cmpi slt, %add3A, %sign3A_13 : i32
    %sign3A_15 = arith.extui %sign3A_14 : i1 to i32
    %sign3A_16 = arith.subi %sign3A_12, %sign3A_15 : i32
    %sign3A_17 = arith.constant 0 : i32
    %sign3A_18 = arith.cmpi sgt, %jit3A_10, %sign3A_17 : i32
    %sign3A_19 = arith.extui %sign3A_18 : i1 to i32
    %sign3A_20 = arith.constant 0 : i32
    %sign3A_21 = arith.cmpi slt, %jit3A_10, %sign3A_20 : i32
    %sign3A_22 = arith.extui %sign3A_21 : i1 to i32
    %sign3A_23 = arith.subi %sign3A_19, %sign3A_22 : i32
    %ne3A_24 = arith.cmpi ne, %sign3A_16, %sign3A_23 : i32
    %rem3A_25 = arith.remsi %add3A, %jit3A_10 : i32
    %ne3A_26 = arith.constant 0 : i32
    %ne3A_27 = arith.cmpi ne, %rem3A_25, %ne3A_26 : i32
    %and3A_28 = arith.andi %ne3A_24, %ne3A_27 : i1
    %sub3A = arith.constant 1 : i32
    %sub3A_29 = arith.subi %div3A, %sub3A : i32
    %select_n3A_30 = arith.select %and3A_28, %sub3A_29, %div3A : i32
    %mul3A_31 = arith.constant 2048 : i32
    %mul3A_32 = arith.muli %select_n3A_30, %mul3A_31 : i32
    %mul3A_33 = arith.constant 512 : i32
    %mul3A_34 = arith.muli %select_n3A_9, %mul3A_33 : i32
    %mul3A_35 = arith.constant 16896 : i32
    %mul3A_36 = arith.muli %select_n3A_9, %mul3A_35 : i32
    "tpu.region"() ({
      %run_scoped3A = tpu.sem_alloc : memref<!tpu.dma_semaphore, #tpu.memory_space<semaphore_mem>>
      %dma_start3A_64 = tpu.memref_slice %arg3[%mul3A_36] : memref<67584xf32, #tpu.memory_space<hbm>> -> memref<16896xf32, #tpu.memory_space<hbm>>
      %dma_start3A_65 = tpu.memref_slice %arg3[%mul3A_36] : memref<67584xf32, #tpu.memory_space<hbm>> -> memref<16896xf32, #tpu.memory_space<hbm>>
      tpu.enqueue_dma source(%dma_start3A_65 : memref<16896xf32, #tpu.memory_space<hbm>>) target(%arg8 : memref<16896xf32, #tpu.memory_space<vmem>>) target_semaphore(%run_scoped3A : memref<!tpu.dma_semaphore, #tpu.memory_space<semaphore_mem>>)
      %dma_wait3A_66 = tpu.memref_slice %arg3[%mul3A_36] : memref<67584xf32, #tpu.memory_space<hbm>> -> memref<16896xf32, #tpu.memory_space<hbm>>
      %dma_wait3A_67 = tpu.memref_slice %arg3[%mul3A_36] : memref<67584xf32, #tpu.memory_space<hbm>> -> memref<16896xf32, #tpu.memory_space<hbm>>
      tpu.wait_dma2 semaphore(%run_scoped3A : memref<!tpu.dma_semaphore, #tpu.memory_space<semaphore_mem>>) src(%dma_wait3A_67 : memref<16896xf32, #tpu.memory_space<hbm>>) dst(%arg8 : memref<16896xf32, #tpu.memory_space<vmem>>)
      tpu.yield
    }) : () -> ()
    %mul3A_37 = arith.constant 16896 : i32
    %mul3A_38 = arith.muli %select_n3A_9, %mul3A_37 : i32
    "tpu.region"() ({
      %run_scoped3A = tpu.sem_alloc : memref<!tpu.dma_semaphore, #tpu.memory_space<semaphore_mem>>
      %dma_start3A_64 = tpu.memref_slice %arg4[%mul3A_38] : memref<67584xf32, #tpu.memory_space<hbm>> -> memref<16896xf32, #tpu.memory_space<hbm>>
      %dma_start3A_65 = tpu.memref_slice %arg4[%mul3A_38] : memref<67584xf32, #tpu.memory_space<hbm>> -> memref<16896xf32, #tpu.memory_space<hbm>>
      tpu.enqueue_dma source(%dma_start3A_65 : memref<16896xf32, #tpu.memory_space<hbm>>) target(%arg9 : memref<16896xf32, #tpu.memory_space<vmem>>) target_semaphore(%run_scoped3A : memref<!tpu.dma_semaphore, #tpu.memory_space<semaphore_mem>>)
      %dma_wait3A_66 = tpu.memref_slice %arg4[%mul3A_38] : memref<67584xf32, #tpu.memory_space<hbm>> -> memref<16896xf32, #tpu.memory_space<hbm>>
      %dma_wait3A_67 = tpu.memref_slice %arg4[%mul3A_38] : memref<67584xf32, #tpu.memory_space<hbm>> -> memref<16896xf32, #tpu.memory_space<hbm>>
      tpu.wait_dma2 semaphore(%run_scoped3A : memref<!tpu.dma_semaphore, #tpu.memory_space<semaphore_mem>>) src(%dma_wait3A_67 : memref<16896xf32, #tpu.memory_space<hbm>>) dst(%arg9 : memref<16896xf32, #tpu.memory_space<vmem>>)
      tpu.yield
    }) : () -> ()
    %mul3A_39 = arith.constant 16896 : i32
    %mul3A_40 = arith.muli %select_n3A_9, %mul3A_39 : i32
    "tpu.region"() ({
      %run_scoped3A = tpu.sem_alloc : memref<!tpu.dma_semaphore, #tpu.memory_space<semaphore_mem>>
      %dma_start3A_64 = tpu.memref_slice %arg5[%mul3A_40] : memref<67584xf32, #tpu.memory_space<hbm>> -> memref<16896xf32, #tpu.memory_space<hbm>>
      %dma_start3A_65 = tpu.memref_slice %arg5[%mul3A_40] : memref<67584xf32, #tpu.memory_space<hbm>> -> memref<16896xf32, #tpu.memory_space<hbm>>
      tpu.enqueue_dma source(%dma_start3A_65 : memref<16896xf32, #tpu.memory_space<hbm>>) target(%arg10 : memref<16896xf32, #tpu.memory_space<vmem>>) target_semaphore(%run_scoped3A : memref<!tpu.dma_semaphore, #tpu.memory_space<semaphore_mem>>)
      %dma_wait3A_66 = tpu.memref_slice %arg5[%mul3A_40] : memref<67584xf32, #tpu.memory_space<hbm>> -> memref<16896xf32, #tpu.memory_space<hbm>>
      %dma_wait3A_67 = tpu.memref_slice %arg5[%mul3A_40] : memref<67584xf32, #tpu.memory_space<hbm>> -> memref<16896xf32, #tpu.memory_space<hbm>>
      tpu.wait_dma2 semaphore(%run_scoped3A : memref<!tpu.dma_semaphore, #tpu.memory_space<semaphore_mem>>) src(%dma_wait3A_67 : memref<16896xf32, #tpu.memory_space<hbm>>) dst(%arg10 : memref<16896xf32, #tpu.memory_space<vmem>>)
      tpu.yield
    }) : () -> ()
    %iota3A = tpu.iota {dimensions = array<i32: 0>} : vector<16xi32>
    %add3A_41 = arith.constant 0 : i32
    %add3A_42 = arith.addi %mul3A_32, %add3A_41 : i32
    %dma_start3A = tpu.memref_slice %arg2[%add3A_42, %mul3A_34] : memref<16384x2048xf32, #tpu.memory_space<hbm>> -> memref<16x512xf32, #tpu.memory_space<hbm>>
    %dma_start3A_43 = tpu.memref_slice %arg2[%add3A_42, %mul3A_34] : memref<16384x2048xf32, #tpu.memory_space<hbm>> -> memref<16x512xf32, #tpu.memory_space<hbm>>
    tpu.enqueue_dma source(%dma_start3A_43 : memref<16x512xf32, #tpu.memory_space<hbm>>) target(%arg11 : memref<16x512xf32, #tpu.memory_space<vmem>>) target_semaphore(%arg17 : memref<!tpu.dma_semaphore, #tpu.memory_space<semaphore_mem>>)
    %scan3A = arith.constant 0 : i32
    %scan3A_44 = arith.constant 0 : i32
    %scan3A_45 = arith.constant 64 : i32
    %scan3A_46 = arith.addi %scan3A_44, %scan3A_45 : i32
    %scan3A_47 = arith.constant 1 : i32
    scf.for %scan3A_64 = %scan3A_44 to %scan3A_46 step %scan3A_47  : i32 {
      %mul3A_65 = arith.constant 2 : i32
      %mul3A_66 = arith.muli %mul3A_65, %scan3A_64 : i32
      %mul3A_67 = arith.constant 2 : i32
      %mul3A_68 = arith.muli %mul3A_67, %scan3A_64 : i32
      %add3A_69 = arith.constant 1 : i32
      %add3A_70 = arith.addi %mul3A_68, %add3A_69 : i32
      %mul3A_71 = arith.constant 16 : i32
      %mul3A_72 = arith.muli %add3A_70, %mul3A_71 : i32
      %add3A_73 = arith.addi %mul3A_32, %mul3A_72 : i32
      %dma_start3A_74 = tpu.memref_slice %arg2[%add3A_73, %mul3A_34] : memref<16384x2048xf32, #tpu.memory_space<hbm>> -> memref<16x512xf32, #tpu.memory_space<hbm>>
      %dma_start3A_75 = tpu.memref_slice %arg2[%add3A_73, %mul3A_34] : memref<16384x2048xf32, #tpu.memory_space<hbm>> -> memref<16x512xf32, #tpu.memory_space<hbm>>
      tpu.enqueue_dma source(%dma_start3A_75 : memref<16x512xf32, #tpu.memory_space<hbm>>) target(%arg12 : memref<16x512xf32, #tpu.memory_space<vmem>>) target_semaphore(%arg18 : memref<!tpu.dma_semaphore, #tpu.memory_space<semaphore_mem>>)
      %mul3A_76 = arith.constant 16 : i32
      %mul3A_77 = arith.muli %mul3A_66, %mul3A_76 : i32
      %add3A_78 = arith.addi %mul3A_32, %mul3A_77 : i32
      %dma_wait3A_79 = tpu.memref_slice %arg2[%add3A_78, %mul3A_34] : memref<16384x2048xf32, #tpu.memory_space<hbm>> -> memref<16x512xf32, #tpu.memory_space<hbm>>
      %dma_wait3A_80 = tpu.memref_slice %arg2[%add3A_78, %mul3A_34] : memref<16384x2048xf32, #tpu.memory_space<hbm>> -> memref<16x512xf32, #tpu.memory_space<hbm>>
      tpu.wait_dma2 semaphore(%arg17 : memref<!tpu.dma_semaphore, #tpu.memory_space<semaphore_mem>>) src(%dma_wait3A_80 : memref<16x512xf32, #tpu.memory_space<hbm>>) dst(%arg11 : memref<16x512xf32, #tpu.memory_space<vmem>>)
      %gt3A = arith.constant 0 : i32
      %gt3A_81 = arith.cmpi sgt, %scan3A_64, %gt3A : i32
      %convert_element_type3A = arith.extui %gt3A_81 : i1 to i32
      %cond3A = arith.constant 0 : i32
      %cond3A_82 = arith.cmpi ne, %convert_element_type3A, %cond3A : i32
      scf.if %cond3A_82 {
        %sub3A_125 = arith.constant 2 : i32
        %sub3A_126 = arith.subi %mul3A_66, %sub3A_125 : i32
        %mul3A_127 = arith.constant 16 : i32
        %mul3A_128 = arith.muli %sub3A_126, %mul3A_127 : i32
        %add3A_129 = arith.addi %mul3A_32, %mul3A_128 : i32
        %dma_wait3A_130 = tpu.memref_slice %arg6[%add3A_129, %mul3A_34] : memref<16384x2048xf32, #tpu.memory_space<hbm>> -> memref<16x512xf32, #tpu.memory_space<hbm>>
        %dma_wait3A_131 = tpu.memref_slice %arg6[%add3A_129, %mul3A_34] : memref<16384x2048xf32, #tpu.memory_space<hbm>> -> memref<16x512xf32, #tpu.memory_space<hbm>>
        tpu.wait_dma2 semaphore(%arg19 : memref<!tpu.dma_semaphore, #tpu.memory_space<semaphore_mem>>) src(%arg13 : memref<16x512xf32, #tpu.memory_space<vmem>>) dst(%dma_wait3A_131 : memref<16x512xf32, #tpu.memory_space<hbm>>)
        %mul3A_132 = arith.constant 16 : i32
        %mul3A_133 = arith.muli %sub3A_126, %mul3A_132 : i32
        %add3A_134 = arith.addi %mul3A_32, %mul3A_133 : i32
        %dma_wait3A_135 = tpu.memref_slice %arg7[%add3A_134, %mul3A_34] : memref<16384x2048xf32, #tpu.memory_space<hbm>> -> memref<16x512xf32, #tpu.memory_space<hbm>>
        %dma_wait3A_136 = tpu.memref_slice %arg7[%add3A_134, %mul3A_34] : memref<16384x2048xf32, #tpu.memory_space<hbm>> -> memref<16x512xf32, #tpu.memory_space<hbm>>
        tpu.wait_dma2 semaphore(%arg19 : memref<!tpu.dma_semaphore, #tpu.memory_space<semaphore_mem>>) src(%arg15 : memref<16x512xf32, #tpu.memory_space<vmem>>) dst(%dma_wait3A_136 : memref<16x512xf32, #tpu.memory_space<hbm>>)
      } else {
      }
      %parallel_loop3A = arith.constant 0 : i32
      %parallel_loop3A_83 = arith.constant 512 : i32
      %parallel_loop3A_84 = arith.constant 1 : i32
      scf.for %parallel_loop3A_125 = %parallel_loop3A to %parallel_loop3A_83 step %parallel_loop3A_84  : i32 {
        %parallel_loop3A_126 = arith.constant 31 : i32
        %parallel_loop3A_127 = arith.andi %parallel_loop3A_125, %parallel_loop3A_126 : i32
        %parallel_loop3A_128 = arith.constant 5 : i32
        %parallel_loop3A_129 = arith.shrui %parallel_loop3A_125, %parallel_loop3A_128 : i32
        %parallel_loop3A_130 = arith.constant 16 : i32
        %parallel_loop3A_131 = arith.muli %parallel_loop3A_127, %parallel_loop3A_130 : i32
        %parallel_loop3A_132 = arith.index_cast %parallel_loop3A_129 : i32 to index
        %parallel_loop3A_133 = arith.index_cast %parallel_loop3A_131 : i32 to index
        %parallel_loop3A_134 = tpu.vector_load %arg11[%parallel_loop3A_132, %parallel_loop3A_133] {strides = array<i32>} : memref<16x512xf32, #tpu.memory_space<vmem>>, vector<16xf32>,
        %parallel_loop3A_135 = arith.constant 16 : i32
        %parallel_loop3A_136 = arith.muli %parallel_loop3A_127, %parallel_loop3A_135 : i32
        %parallel_loop3A_137 = vector.broadcast %parallel_loop3A_136 : i32 to vector<16xi32>
        %parallel_loop3A_138 = arith.addi %iota3A, %parallel_loop3A_137 : vector<16xi32>
        %parallel_loop3A_139 = arith.constant 7680 : i32
        %parallel_loop3A_140 = vector.broadcast %parallel_loop3A_139 : i32 to vector<16xi32>
        %parallel_loop3A_141 = arith.addi %parallel_loop3A_138, %parallel_loop3A_140 : vector<16xi32>
        %parallel_loop3A_142 = tpu.vector_load_idx %arg8[%parallel_loop3A_141] : memref<16896xf32, #tpu.memory_space<vmem>>[vector<16xi32>], vector<16xf32>,
        %parallel_loop3A_143 = arith.cmpf olt, %parallel_loop3A_142, %parallel_loop3A_134 : vector<16xf32>
        %parallel_loop3A_144 = arith.constant 8192 : i32
        %parallel_loop3A_145 = vector.broadcast %parallel_loop3A_144 : i32 to vector<16xi32>
        %parallel_loop3A_146 = arith.addi %parallel_loop3A_138, %parallel_loop3A_145 : vector<16xi32>
        %parallel_loop3A_147 = arith.select %parallel_loop3A_143, %parallel_loop3A_146, %parallel_loop3A_138 : vector<16xi1>, vector<16xi32>
        %parallel_loop3A_148 = arith.constant 3584 : i32
        %parallel_loop3A_149 = vector.broadcast %parallel_loop3A_148 : i32 to vector<16xi32>
        %parallel_loop3A_150 = arith.addi %parallel_loop3A_147, %parallel_loop3A_149 : vector<16xi32>
        %parallel_loop3A_151 = tpu.vector_load_idx %arg8[%parallel_loop3A_150] : memref<16896xf32, #tpu.memory_space<vmem>>[vector<16xi32>], vector<16xf32>,
        %parallel_loop3A_152 = arith.cmpf olt, %parallel_loop3A_151, %parallel_loop3A_134 : vector<16xf32>
        %parallel_loop3A_153 = arith.constant 4096 : i32
        %parallel_loop3A_154 = vector.broadcast %parallel_loop3A_153 : i32 to vector<16xi32>
        %parallel_loop3A_155 = arith.addi %parallel_loop3A_147, %parallel_loop3A_154 : vector<16xi32>
        %parallel_loop3A_156 = arith.select %parallel_loop3A_152, %parallel_loop3A_155, %parallel_loop3A_147 : vector<16xi1>, vector<16xi32>
        %parallel_loop3A_157 = arith.constant 1536 : i32
        %parallel_loop3A_158 = vector.broadcast %parallel_loop3A_157 : i32 to vector<16xi32>
        %parallel_loop3A_159 = arith.addi %parallel_loop3A_156, %parallel_loop3A_158 : vector<16xi32>
        %parallel_loop3A_160 = tpu.vector_load_idx %arg8[%parallel_loop3A_159] : memref<16896xf32, #tpu.memory_space<vmem>>[vector<16xi32>], vector<16xf32>,
        %parallel_loop3A_161 = arith.cmpf olt, %parallel_loop3A_160, %parallel_loop3A_134 : vector<16xf32>
        %parallel_loop3A_162 = arith.constant 2048 : i32
        %parallel_loop3A_163 = vector.broadcast %parallel_loop3A_162 : i32 to vector<16xi32>
        %parallel_loop3A_164 = arith.addi %parallel_loop3A_156, %parallel_loop3A_163 : vector<16xi32>
        %parallel_loop3A_165 = arith.select %parallel_loop3A_161, %parallel_loop3A_164, %parallel_loop3A_156 : vector<16xi1>, vector<16xi32>
        %parallel_loop3A_166 = arith.constant 512 : i32
        %parallel_loop3A_167 = vector.broadcast %parallel_loop3A_166 : i32 to vector<16xi32>
        %parallel_loop3A_168 = arith.addi %parallel_loop3A_165, %parallel_loop3A_167 : vector<16xi32>
        %parallel_loop3A_169 = tpu.vector_load_idx %arg8[%parallel_loop3A_168] : memref<16896xf32, #tpu.memory_space<vmem>>[vector<16xi32>], vector<16xf32>,
        %parallel_loop3A_170 = arith.cmpf olt, %parallel_loop3A_169, %parallel_loop3A_134 : vector<16xf32>
        %parallel_loop3A_171 = arith.constant 1024 : i32
        %parallel_loop3A_172 = vector.broadcast %parallel_loop3A_171 : i32 to vector<16xi32>
        %parallel_loop3A_173 = arith.addi %parallel_loop3A_165, %parallel_loop3A_172 : vector<16xi32>
        %parallel_loop3A_174 = arith.select %parallel_loop3A_170, %parallel_loop3A_173, %parallel_loop3A_165 : vector<16xi1>, vector<16xi32>
        %parallel_loop3A_175 = arith.constant 0 : i32
        %parallel_loop3A_176 = vector.broadcast %parallel_loop3A_175 : i32 to vector<16xi32>
        %parallel_loop3A_177 = arith.addi %parallel_loop3A_174, %parallel_loop3A_176 : vector<16xi32>
        %parallel_loop3A_178 = tpu.vector_load_idx %arg8[%parallel_loop3A_177] : memref<16896xf32, #tpu.memory_space<vmem>>[vector<16xi32>], vector<16xf32>,
        %parallel_loop3A_179 = arith.cmpf olt, %parallel_loop3A_178, %parallel_loop3A_134 : vector<16xf32>
        %parallel_loop3A_180 = arith.constant 512 : i32
        %parallel_loop3A_181 = vector.broadcast %parallel_loop3A_180 : i32 to vector<16xi32>
        %parallel_loop3A_182 = arith.addi %parallel_loop3A_174, %parallel_loop3A_181 : vector<16xi32>
        %parallel_loop3A_183 = arith.select %parallel_loop3A_179, %parallel_loop3A_182, %parallel_loop3A_174 : vector<16xi1>, vector<16xi32>
        %parallel_loop3A_184 = tpu.vector_load_idx %arg8[%parallel_loop3A_183] : memref<16896xf32, #tpu.memory_space<vmem>>[vector<16xi32>], vector<16xf32>,
        %parallel_loop3A_185 = arith.cmpf olt, %parallel_loop3A_184, %parallel_loop3A_134 : vector<16xf32>
        %parallel_loop3A_186 = arith.constant 512 : i32
        %parallel_loop3A_187 = vector.broadcast %parallel_loop3A_186 : i32 to vector<16xi32>
        %parallel_loop3A_188 = arith.addi %parallel_loop3A_183, %parallel_loop3A_187 : vector<16xi32>
        %parallel_loop3A_189 = arith.select %parallel_loop3A_185, %parallel_loop3A_188, %parallel_loop3A_183 : vector<16xi1>, vector<16xi32>
        %parallel_loop3A_190 = tpu.vector_load_idx %arg9[%parallel_loop3A_189] : memref<16896xf32, #tpu.memory_space<vmem>>[vector<16xi32>], vector<16xf32>,
        %parallel_loop3A_191 = tpu.vector_load_idx %arg10[%parallel_loop3A_189] : memref<16896xf32, #tpu.memory_space<vmem>>[vector<16xi32>], vector<16xf32>,
        %parallel_loop3A_192 = arith.mulf %parallel_loop3A_134, %parallel_loop3A_190 : vector<16xf32>
        %parallel_loop3A_193 = arith.addf %parallel_loop3A_191, %parallel_loop3A_192 : vector<16xf32>
        %parallel_loop3A_194 = arith.constant 16 : i32
        %parallel_loop3A_195 = arith.muli %parallel_loop3A_127, %parallel_loop3A_194 : i32
        %parallel_loop3A_196 = arith.index_cast %parallel_loop3A_129 : i32 to index
        %parallel_loop3A_197 = arith.index_cast %parallel_loop3A_195 : i32 to index
        %parallel_loop3A_198 = tpu.vector_load %arg13[%parallel_loop3A_196, %parallel_loop3A_197] {strides = array<i32>} : memref<16x512xf32, #tpu.memory_space<vmem>>, vector<16xf32>,
        tpu.vector_store %arg13[%parallel_loop3A_196, %parallel_loop3A_197], %parallel_loop3A_193 {strides = array<i32>} : memref<16x512xf32, #tpu.memory_space<vmem>>, vector<16xf32>,
        %parallel_loop3A_199 = arith.constant 16 : i32
        %parallel_loop3A_200 = arith.muli %parallel_loop3A_127, %parallel_loop3A_199 : i32
        %parallel_loop3A_201 = arith.index_cast %parallel_loop3A_129 : i32 to index
        %parallel_loop3A_202 = arith.index_cast %parallel_loop3A_200 : i32 to index
        %parallel_loop3A_203 = tpu.vector_load %arg15[%parallel_loop3A_201, %parallel_loop3A_202] {strides = array<i32>} : memref<16x512xf32, #tpu.memory_space<vmem>>, vector<16xf32>,
        tpu.vector_store %arg15[%parallel_loop3A_201, %parallel_loop3A_202], %parallel_loop3A_190 {strides = array<i32>} : memref<16x512xf32, #tpu.memory_space<vmem>>, vector<16xf32>,
      } {sc.loop_unroll_factor = 4 : i64, sc.parallel_access}
      %mul3A_85 = arith.constant 16 : i32
      %mul3A_86 = arith.muli %mul3A_66, %mul3A_85 : i32
      %add3A_87 = arith.addi %mul3A_32, %mul3A_86 : i32
      %dma_start3A_88 = tpu.memref_slice %arg6[%add3A_87, %mul3A_34] : memref<16384x2048xf32, #tpu.memory_space<hbm>> -> memref<16x512xf32, #tpu.memory_space<hbm>>
      %dma_start3A_89 = tpu.memref_slice %arg6[%add3A_87, %mul3A_34] : memref<16384x2048xf32, #tpu.memory_space<hbm>> -> memref<16x512xf32, #tpu.memory_space<hbm>>
      tpu.enqueue_dma source(%arg13 : memref<16x512xf32, #tpu.memory_space<vmem>>) target(%dma_start3A_89 : memref<16x512xf32, #tpu.memory_space<hbm>>) target_semaphore(%arg19 : memref<!tpu.dma_semaphore, #tpu.memory_space<semaphore_mem>>)
      %mul3A_90 = arith.constant 16 : i32
      %mul3A_91 = arith.muli %mul3A_66, %mul3A_90 : i32
      %add3A_92 = arith.addi %mul3A_32, %mul3A_91 : i32
      %dma_start3A_93 = tpu.memref_slice %arg7[%add3A_92, %mul3A_34] : memref<16384x2048xf32, #tpu.memory_space<hbm>> -> memref<16x512xf32, #tpu.memory_space<hbm>>
      %dma_start3A_94 = tpu.memref_slice %arg7[%add3A_92, %mul3A_34] : memref<16384x2048xf32, #tpu.memory_space<hbm>> -> memref<16x512xf32, #tpu.memory_space<hbm>>
      tpu.enqueue_dma source(%arg15 : memref<16x512xf32, #tpu.memory_space<vmem>>) target(%dma_start3A_94 : memref<16x512xf32, #tpu.memory_space<hbm>>) target_semaphore(%arg19 : memref<!tpu.dma_semaphore, #tpu.memory_space<semaphore_mem>>)
      %add3A_95 = arith.constant 1 : i32
      %add3A_96 = arith.addi %scan3A_64, %add3A_95 : i32
      %lt3A_97 = arith.constant 64 : i32
      %lt3A_98 = arith.cmpi slt, %add3A_96, %lt3A_97 : i32
      %convert_element_type3A_99 = arith.extui %lt3A_98 : i1 to i32
      %cond3A_100 = arith.constant 0 : i32
      %cond3A_101 = arith.cmpi ne, %convert_element_type3A_99, %cond3A_100 : i32
      scf.if %cond3A_101 {
        %add3A_125 = arith.constant 2 : i32
        %add3A_126 = arith.addi %mul3A_66, %add3A_125 : i32
        %mul3A_127 = arith.constant 16 : i32
        %mul3A_128 = arith.muli %add3A_126, %mul3A_127 : i32
        %add3A_129 = arith.addi %mul3A_32, %mul3A_128 : i32
        %dma_start3A_130 = tpu.memref_slice %arg2[%add3A_129, %mul3A_34] : memref<16384x2048xf32, #tpu.memory_space<hbm>> -> memref<16x512xf32, #tpu.memory_space<hbm>>
        %dma_start3A_131 = tpu.memref_slice %arg2[%add3A_129, %mul3A_34] : memref<16384x2048xf32, #tpu.memory_space<hbm>> -> memref<16x512xf32, #tpu.memory_space<hbm>>
        tpu.enqueue_dma source(%dma_start3A_131 : memref<16x512xf32, #tpu.memory_space<hbm>>) target(%arg11 : memref<16x512xf32, #tpu.memory_space<vmem>>) target_semaphore(%arg17 : memref<!tpu.dma_semaphore, #tpu.memory_space<semaphore_mem>>)
      } else {
      }
      %mul3A_102 = arith.constant 16 : i32
      %mul3A_103 = arith.muli %add3A_70, %mul3A_102 : i32
      %add3A_104 = arith.addi %mul3A_32, %mul3A_103 : i32
      %dma_wait3A_105 = tpu.memref_slice %arg2[%add3A_104, %mul3A_34] : memref<16384x2048xf32, #tpu.memory_space<hbm>> -> memref<16x512xf32, #tpu.memory_space<hbm>>
      %dma_wait3A_106 = tpu.memref_slice %arg2[%add3A_104, %mul3A_34] : memref<16384x2048xf32, #tpu.memory_space<hbm>> -> memref<16x512xf32, #tpu.memory_space<hbm>>
      tpu.wait_dma2 semaphore(%arg18 : memref<!tpu.dma_semaphore, #tpu.memory_space<semaphore_mem>>) src(%dma_wait3A_106 : memref<16x512xf32, #tpu.memory_space<hbm>>) dst(%arg12 : memref<16x512xf32, #tpu.memory_space<vmem>>)
      %gt3A_107 = arith.constant 0 : i32
      %gt3A_108 = arith.cmpi sgt, %scan3A_64, %gt3A_107 : i32
      %convert_element_type3A_109 = arith.extui %gt3A_108 : i1 to i32
      %cond3A_110 = arith.constant 0 : i32
      %cond3A_111 = arith.cmpi ne, %convert_element_type3A_109, %cond3A_110 : i32
      scf.if %cond3A_111 {
        %sub3A_125 = arith.constant 2 : i32
        %sub3A_126 = arith.subi %add3A_70, %sub3A_125 : i32
        %mul3A_127 = arith.constant 16 : i32
        %mul3A_128 = arith.muli %sub3A_126, %mul3A_127 : i32
        %add3A_129 = arith.addi %mul3A_32, %mul3A_128 : i32
        %dma_wait3A_130 = tpu.memref_slice %arg6[%add3A_129, %mul3A_34] : memref<16384x2048xf32, #tpu.memory_space<hbm>> -> memref<16x512xf32, #tpu.memory_space<hbm>>
        %dma_wait3A_131 = tpu.memref_slice %arg6[%add3A_129, %mul3A_34] : memref<16384x2048xf32, #tpu.memory_space<hbm>> -> memref<16x512xf32, #tpu.memory_space<hbm>>
        tpu.wait_dma2 semaphore(%arg20 : memref<!tpu.dma_semaphore, #tpu.memory_space<semaphore_mem>>) src(%arg14 : memref<16x512xf32, #tpu.memory_space<vmem>>) dst(%dma_wait3A_131 : memref<16x512xf32, #tpu.memory_space<hbm>>)
        %mul3A_132 = arith.constant 16 : i32
        %mul3A_133 = arith.muli %sub3A_126, %mul3A_132 : i32
        %add3A_134 = arith.addi %mul3A_32, %mul3A_133 : i32
        %dma_wait3A_135 = tpu.memref_slice %arg7[%add3A_134, %mul3A_34] : memref<16384x2048xf32, #tpu.memory_space<hbm>> -> memref<16x512xf32, #tpu.memory_space<hbm>>
        %dma_wait3A_136 = tpu.memref_slice %arg7[%add3A_134, %mul3A_34] : memref<16384x2048xf32, #tpu.memory_space<hbm>> -> memref<16x512xf32, #tpu.memory_space<hbm>>
        tpu.wait_dma2 semaphore(%arg20 : memref<!tpu.dma_semaphore, #tpu.memory_space<semaphore_mem>>) src(%arg16 : memref<16x512xf32, #tpu.memory_space<vmem>>) dst(%dma_wait3A_136 : memref<16x512xf32, #tpu.memory_space<hbm>>)
      } else {
      }
      %parallel_loop3A_112 = arith.constant 0 : i32
      %parallel_loop3A_113 = arith.constant 512 : i32
      %parallel_loop3A_114 = arith.constant 1 : i32
      scf.for %parallel_loop3A_125 = %parallel_loop3A_112 to %parallel_loop3A_113 step %parallel_loop3A_114  : i32 {
        %parallel_loop3A_126 = arith.constant 31 : i32
        %parallel_loop3A_127 = arith.andi %parallel_loop3A_125, %parallel_loop3A_126 : i32
        %parallel_loop3A_128 = arith.constant 5 : i32
        %parallel_loop3A_129 = arith.shrui %parallel_loop3A_125, %parallel_loop3A_128 : i32
        %parallel_loop3A_130 = arith.constant 16 : i32
        %parallel_loop3A_131 = arith.muli %parallel_loop3A_127, %parallel_loop3A_130 : i32
        %parallel_loop3A_132 = arith.index_cast %parallel_loop3A_129 : i32 to index
        %parallel_loop3A_133 = arith.index_cast %parallel_loop3A_131 : i32 to index
        %parallel_loop3A_134 = tpu.vector_load %arg12[%parallel_loop3A_132, %parallel_loop3A_133] {strides = array<i32>} : memref<16x512xf32, #tpu.memory_space<vmem>>, vector<16xf32>,
        %parallel_loop3A_135 = arith.constant 16 : i32
        %parallel_loop3A_136 = arith.muli %parallel_loop3A_127, %parallel_loop3A_135 : i32
        %parallel_loop3A_137 = vector.broadcast %parallel_loop3A_136 : i32 to vector<16xi32>
        %parallel_loop3A_138 = arith.addi %iota3A, %parallel_loop3A_137 : vector<16xi32>
        %parallel_loop3A_139 = arith.constant 7680 : i32
        %parallel_loop3A_140 = vector.broadcast %parallel_loop3A_139 : i32 to vector<16xi32>
        %parallel_loop3A_141 = arith.addi %parallel_loop3A_138, %parallel_loop3A_140 : vector<16xi32>
        %parallel_loop3A_142 = tpu.vector_load_idx %arg8[%parallel_loop3A_141] : memref<16896xf32, #tpu.memory_space<vmem>>[vector<16xi32>], vector<16xf32>,
        %parallel_loop3A_143 = arith.cmpf olt, %parallel_loop3A_142, %parallel_loop3A_134 : vector<16xf32>
        %parallel_loop3A_144 = arith.constant 8192 : i32
        %parallel_loop3A_145 = vector.broadcast %parallel_loop3A_144 : i32 to vector<16xi32>
        %parallel_loop3A_146 = arith.addi %parallel_loop3A_138, %parallel_loop3A_145 : vector<16xi32>
        %parallel_loop3A_147 = arith.select %parallel_loop3A_143, %parallel_loop3A_146, %parallel_loop3A_138 : vector<16xi1>, vector<16xi32>
        %parallel_loop3A_148 = arith.constant 3584 : i32
        %parallel_loop3A_149 = vector.broadcast %parallel_loop3A_148 : i32 to vector<16xi32>
        %parallel_loop3A_150 = arith.addi %parallel_loop3A_147, %parallel_loop3A_149 : vector<16xi32>
        %parallel_loop3A_151 = tpu.vector_load_idx %arg8[%parallel_loop3A_150] : memref<16896xf32, #tpu.memory_space<vmem>>[vector<16xi32>], vector<16xf32>,
        %parallel_loop3A_152 = arith.cmpf olt, %parallel_loop3A_151, %parallel_loop3A_134 : vector<16xf32>
        %parallel_loop3A_153 = arith.constant 4096 : i32
        %parallel_loop3A_154 = vector.broadcast %parallel_loop3A_153 : i32 to vector<16xi32>
        %parallel_loop3A_155 = arith.addi %parallel_loop3A_147, %parallel_loop3A_154 : vector<16xi32>
        %parallel_loop3A_156 = arith.select %parallel_loop3A_152, %parallel_loop3A_155, %parallel_loop3A_147 : vector<16xi1>, vector<16xi32>
        %parallel_loop3A_157 = arith.constant 1536 : i32
        %parallel_loop3A_158 = vector.broadcast %parallel_loop3A_157 : i32 to vector<16xi32>
        %parallel_loop3A_159 = arith.addi %parallel_loop3A_156, %parallel_loop3A_158 : vector<16xi32>
        %parallel_loop3A_160 = tpu.vector_load_idx %arg8[%parallel_loop3A_159] : memref<16896xf32, #tpu.memory_space<vmem>>[vector<16xi32>], vector<16xf32>,
        %parallel_loop3A_161 = arith.cmpf olt, %parallel_loop3A_160, %parallel_loop3A_134 : vector<16xf32>
        %parallel_loop3A_162 = arith.constant 2048 : i32
        %parallel_loop3A_163 = vector.broadcast %parallel_loop3A_162 : i32 to vector<16xi32>
        %parallel_loop3A_164 = arith.addi %parallel_loop3A_156, %parallel_loop3A_163 : vector<16xi32>
        %parallel_loop3A_165 = arith.select %parallel_loop3A_161, %parallel_loop3A_164, %parallel_loop3A_156 : vector<16xi1>, vector<16xi32>
        %parallel_loop3A_166 = arith.constant 512 : i32
        %parallel_loop3A_167 = vector.broadcast %parallel_loop3A_166 : i32 to vector<16xi32>
        %parallel_loop3A_168 = arith.addi %parallel_loop3A_165, %parallel_loop3A_167 : vector<16xi32>
        %parallel_loop3A_169 = tpu.vector_load_idx %arg8[%parallel_loop3A_168] : memref<16896xf32, #tpu.memory_space<vmem>>[vector<16xi32>], vector<16xf32>,
        %parallel_loop3A_170 = arith.cmpf olt, %parallel_loop3A_169, %parallel_loop3A_134 : vector<16xf32>
        %parallel_loop3A_171 = arith.constant 1024 : i32
        %parallel_loop3A_172 = vector.broadcast %parallel_loop3A_171 : i32 to vector<16xi32>
        %parallel_loop3A_173 = arith.addi %parallel_loop3A_165, %parallel_loop3A_172 : vector<16xi32>
        %parallel_loop3A_174 = arith.select %parallel_loop3A_170, %parallel_loop3A_173, %parallel_loop3A_165 : vector<16xi1>, vector<16xi32>
        %parallel_loop3A_175 = arith.constant 0 : i32
        %parallel_loop3A_176 = vector.broadcast %parallel_loop3A_175 : i32 to vector<16xi32>
        %parallel_loop3A_177 = arith.addi %parallel_loop3A_174, %parallel_loop3A_176 : vector<16xi32>
        %parallel_loop3A_178 = tpu.vector_load_idx %arg8[%parallel_loop3A_177] : memref<16896xf32, #tpu.memory_space<vmem>>[vector<16xi32>], vector<16xf32>,
        %parallel_loop3A_179 = arith.cmpf olt, %parallel_loop3A_178, %parallel_loop3A_134 : vector<16xf32>
        %parallel_loop3A_180 = arith.constant 512 : i32
        %parallel_loop3A_181 = vector.broadcast %parallel_loop3A_180 : i32 to vector<16xi32>
        %parallel_loop3A_182 = arith.addi %parallel_loop3A_174, %parallel_loop3A_181 : vector<16xi32>
        %parallel_loop3A_183 = arith.select %parallel_loop3A_179, %parallel_loop3A_182, %parallel_loop3A_174 : vector<16xi1>, vector<16xi32>
        %parallel_loop3A_184 = tpu.vector_load_idx %arg8[%parallel_loop3A_183] : memref<16896xf32, #tpu.memory_space<vmem>>[vector<16xi32>], vector<16xf32>,
        %parallel_loop3A_185 = arith.cmpf olt, %parallel_loop3A_184, %parallel_loop3A_134 : vector<16xf32>
        %parallel_loop3A_186 = arith.constant 512 : i32
        %parallel_loop3A_187 = vector.broadcast %parallel_loop3A_186 : i32 to vector<16xi32>
        %parallel_loop3A_188 = arith.addi %parallel_loop3A_183, %parallel_loop3A_187 : vector<16xi32>
        %parallel_loop3A_189 = arith.select %parallel_loop3A_185, %parallel_loop3A_188, %parallel_loop3A_183 : vector<16xi1>, vector<16xi32>
        %parallel_loop3A_190 = tpu.vector_load_idx %arg9[%parallel_loop3A_189] : memref<16896xf32, #tpu.memory_space<vmem>>[vector<16xi32>], vector<16xf32>,
        %parallel_loop3A_191 = tpu.vector_load_idx %arg10[%parallel_loop3A_189] : memref<16896xf32, #tpu.memory_space<vmem>>[vector<16xi32>], vector<16xf32>,
        %parallel_loop3A_192 = arith.mulf %parallel_loop3A_134, %parallel_loop3A_190 : vector<16xf32>
        %parallel_loop3A_193 = arith.addf %parallel_loop3A_191, %parallel_loop3A_192 : vector<16xf32>
        %parallel_loop3A_194 = arith.constant 16 : i32
        %parallel_loop3A_195 = arith.muli %parallel_loop3A_127, %parallel_loop3A_194 : i32
        %parallel_loop3A_196 = arith.index_cast %parallel_loop3A_129 : i32 to index
        %parallel_loop3A_197 = arith.index_cast %parallel_loop3A_195 : i32 to index
        %parallel_loop3A_198 = tpu.vector_load %arg14[%parallel_loop3A_196, %parallel_loop3A_197] {strides = array<i32>} : memref<16x512xf32, #tpu.memory_space<vmem>>, vector<16xf32>,
        tpu.vector_store %arg14[%parallel_loop3A_196, %parallel_loop3A_197], %parallel_loop3A_193 {strides = array<i32>} : memref<16x512xf32, #tpu.memory_space<vmem>>, vector<16xf32>,
        %parallel_loop3A_199 = arith.constant 16 : i32
        %parallel_loop3A_200 = arith.muli %parallel_loop3A_127, %parallel_loop3A_199 : i32
        %parallel_loop3A_201 = arith.index_cast %parallel_loop3A_129 : i32 to index
        %parallel_loop3A_202 = arith.index_cast %parallel_loop3A_200 : i32 to index
        %parallel_loop3A_203 = tpu.vector_load %arg16[%parallel_loop3A_201, %parallel_loop3A_202] {strides = array<i32>} : memref<16x512xf32, #tpu.memory_space<vmem>>, vector<16xf32>,
        tpu.vector_store %arg16[%parallel_loop3A_201, %parallel_loop3A_202], %parallel_loop3A_190 {strides = array<i32>} : memref<16x512xf32, #tpu.memory_space<vmem>>, vector<16xf32>,
      } {sc.loop_unroll_factor = 4 : i64, sc.parallel_access}
      %mul3A_115 = arith.constant 16 : i32
      %mul3A_116 = arith.muli %add3A_70, %mul3A_115 : i32
      %add3A_117 = arith.addi %mul3A_32, %mul3A_116 : i32
      %dma_start3A_118 = tpu.memref_slice %arg6[%add3A_117, %mul3A_34] : memref<16384x2048xf32, #tpu.memory_space<hbm>> -> memref<16x512xf32, #tpu.memory_space<hbm>>
      %dma_start3A_119 = tpu.memref_slice %arg6[%add3A_117, %mul3A_34] : memref<16384x2048xf32, #tpu.memory_space<hbm>> -> memref<16x512xf32, #tpu.memory_space<hbm>>
      tpu.enqueue_dma source(%arg14 : memref<16x512xf32, #tpu.memory_space<vmem>>) target(%dma_start3A_119 : memref<16x512xf32, #tpu.memory_space<hbm>>) target_semaphore(%arg20 : memref<!tpu.dma_semaphore, #tpu.memory_space<semaphore_mem>>)
      %mul3A_120 = arith.constant 16 : i32
      %mul3A_121 = arith.muli %add3A_70, %mul3A_120 : i32
      %add3A_122 = arith.addi %mul3A_32, %mul3A_121 : i32
      %dma_start3A_123 = tpu.memref_slice %arg7[%add3A_122, %mul3A_34] : memref<16384x2048xf32, #tpu.memory_space<hbm>> -> memref<16x512xf32, #tpu.memory_space<hbm>>
      %dma_start3A_124 = tpu.memref_slice %arg7[%add3A_122, %mul3A_34] : memref<16384x2048xf32, #tpu.memory_space<hbm>> -> memref<16x512xf32, #tpu.memory_space<hbm>>
      tpu.enqueue_dma source(%arg16 : memref<16x512xf32, #tpu.memory_space<vmem>>) target(%dma_start3A_124 : memref<16x512xf32, #tpu.memory_space<hbm>>) target_semaphore(%arg20 : memref<!tpu.dma_semaphore, #tpu.memory_space<semaphore_mem>>)
    }
    %scan3A_48 = arith.constant 64 : i32
    %add3A_49 = arith.constant 2016 : i32
    %add3A_50 = arith.addi %mul3A_32, %add3A_49 : i32
    %dma_wait3A = tpu.memref_slice %arg6[%add3A_50, %mul3A_34] : memref<16384x2048xf32, #tpu.memory_space<hbm>> -> memref<16x512xf32, #tpu.memory_space<hbm>>
    %dma_wait3A_51 = tpu.memref_slice %arg6[%add3A_50, %mul3A_34] : memref<16384x2048xf32, #tpu.memory_space<hbm>> -> memref<16x512xf32, #tpu.memory_space<hbm>>
    tpu.wait_dma2 semaphore(%arg19 : memref<!tpu.dma_semaphore, #tpu.memory_space<semaphore_mem>>) src(%arg13 : memref<16x512xf32, #tpu.memory_space<vmem>>) dst(%dma_wait3A_51 : memref<16x512xf32, #tpu.memory_space<hbm>>)
    %add3A_52 = arith.constant 2016 : i32
    %add3A_53 = arith.addi %mul3A_32, %add3A_52 : i32
    %dma_wait3A_54 = tpu.memref_slice %arg7[%add3A_53, %mul3A_34] : memref<16384x2048xf32, #tpu.memory_space<hbm>> -> memref<16x512xf32, #tpu.memory_space<hbm>>
    %dma_wait3A_55 = tpu.memref_slice %arg7[%add3A_53, %mul3A_34] : memref<16384x2048xf32, #tpu.memory_space<hbm>> -> memref<16x512xf32, #tpu.memory_space<hbm>>
    tpu.wait_dma2 semaphore(%arg19 : memref<!tpu.dma_semaphore, #tpu.memory_space<semaphore_mem>>) src(%arg15 : memref<16x512xf32, #tpu.memory_space<vmem>>) dst(%dma_wait3A_55 : memref<16x512xf32, #tpu.memory_space<hbm>>)
    %add3A_56 = arith.constant 2032 : i32
    %add3A_57 = arith.addi %mul3A_32, %add3A_56 : i32
    %dma_wait3A_58 = tpu.memref_slice %arg6[%add3A_57, %mul3A_34] : memref<16384x2048xf32, #tpu.memory_space<hbm>> -> memref<16x512xf32, #tpu.memory_space<hbm>>
    %dma_wait3A_59 = tpu.memref_slice %arg6[%add3A_57, %mul3A_34] : memref<16384x2048xf32, #tpu.memory_space<hbm>> -> memref<16x512xf32, #tpu.memory_space<hbm>>
    tpu.wait_dma2 semaphore(%arg20 : memref<!tpu.dma_semaphore, #tpu.memory_space<semaphore_mem>>) src(%arg14 : memref<16x512xf32, #tpu.memory_space<vmem>>) dst(%dma_wait3A_59 : memref<16x512xf32, #tpu.memory_space<hbm>>)
    %add3A_60 = arith.constant 2032 : i32
    %add3A_61 = arith.addi %mul3A_32, %add3A_60 : i32
    %dma_wait3A_62 = tpu.memref_slice %arg7[%add3A_61, %mul3A_34] : memref<16384x2048xf32, #tpu.memory_space<hbm>> -> memref<16x512xf32, #tpu.memory_space<hbm>>
    %dma_wait3A_63 = tpu.memref_slice %arg7[%add3A_61, %mul3A_34] : memref<16384x2048xf32, #tpu.memory_space<hbm>> -> memref<16x512xf32, #tpu.memory_space<hbm>>
    tpu.wait_dma2 semaphore(%arg20 : memref<!tpu.dma_semaphore, #tpu.memory_space<semaphore_mem>>) src(%arg16 : memref<16x512xf32, #tpu.memory_space<vmem>>) dst(%dma_wait3A_63 : memref<16x512xf32, #tpu.memory_space<hbm>>)
    return
  }
}

module attributes {stable_mosaic.version = 14 : i64} {
  func.func @_prep_body(%arg0: i32, %arg1: memref<128x32xf32, #tpu.memory_space<vmem>>, %arg2: memref<128x33xf32, #tpu.memory_space<vmem>>, %arg3: memref<128x1xf32, #tpu.memory_space<vmem>>, %arg4: memref<128x33xf32, #tpu.memory_space<vmem>>, %arg5: memref<128x33xf32, #tpu.memory_space<vmem>>, %arg6: memref<128x33xf32, #tpu.memory_space<vmem>>) attributes {dimension_semantics = [#tpu.dimension_semantics<arbitrary>], iteration_bounds = array<i64: 16>, scalar_prefetch = 0 : i64, scratch_operands = 0 : i64, tpu.core_type = #tpu.core_type<tc>, window_params = [{transform_indices = @transform_0, window_bounds = array<i64: 128, 32>}, {transform_indices = @transform_1, window_bounds = array<i64: 128, 33>}, {transform_indices = @transform_2, window_bounds = array<i64: 128, 1>}, {transform_indices = @transform_3, window_bounds = array<i64: 128, 33>}, {transform_indices = @transform_4, window_bounds = array<i64: 128, 33>}, {transform_indices = @transform_5, window_bounds = array<i64: 128, 33>}]} {
    %get3A = arith.constant 0 : index
    %get3A_0 = arith.constant 0 : index
    %get3A_1 = vector.load %arg1[%get3A, %get3A_0] : memref<128x32xf32, #tpu.memory_space<vmem>>, vector<128x32xf32>
    %get3A_2 = arith.constant 0 : index
    %get3A_3 = arith.constant 0 : index
    %get3A_4 = vector.load %arg2[%get3A_2, %get3A_3] : memref<128x33xf32, #tpu.memory_space<vmem>>, vector<128x33xf32>
    %get3A_5 = arith.constant 0 : index
    %get3A_6 = arith.constant 0 : index
    %get3A_7 = vector.load %arg3[%get3A_5, %get3A_6] : memref<128x1xf32, #tpu.memory_space<vmem>>, vector<128x1xf32>
    %abs3A = math.absf %get3A_4 : vector<128x33xf32>
    %neg3A = arith.constant 0.000000e+00 : f32
    %neg3A_8 = vector.broadcast %neg3A : f32 to vector<128x33xf32>
    %neg3A_9 = arith.subf %neg3A_8, %abs3A : vector<128x33xf32>
    %exp3A = math.exp %neg3A_9 : vector<128x33xf32>
    %add3A = arith.constant 1.000000e+00 : f32
    %add3A_10 = vector.broadcast %add3A : f32 to vector<128x33xf32>
    %add3A_11 = arith.addf %add3A_10, %exp3A : vector<128x33xf32>
    %log3A = math.log %add3A_11 : vector<128x33xf32>
    %max3A = arith.constant 0.000000e+00 : f32
    %max3A_12 = vector.broadcast %max3A : f32 to vector<128x33xf32>
    %max3A_13 = arith.maximumf %get3A_4, %max3A_12 : vector<128x33xf32>
    %add3A_14 = arith.addf %log3A, %max3A_13 : vector<128x33xf32>
    %add3A_15 = arith.constant 1.000000e-03 : f32
    %add3A_16 = vector.broadcast %add3A_15 : f32 to vector<128x33xf32>
    %add3A_17 = arith.addf %add3A_14, %add3A_16 : vector<128x33xf32>
    %broadcast_in_dim3A = vector.shape_cast %get3A_1 : vector<128x32xf32> to vector<128x32x1xf32>
    %broadcast_in_dim3A_18 = vector.shape_cast %get3A_1 : vector<128x32xf32> to vector<128x1x32xf32>
    %iota3A = tpu.iota {dimensions = array<i32: 1>} : vector<128x32x32xi32>
    %iota3A_19 = tpu.iota {dimensions = array<i32: 2>} : vector<128x32x32xi32>
    %lt3A = vector.broadcast %broadcast_in_dim3A : vector<128x32x1xf32> to vector<128x32x32xf32>
    %lt3A_20 = vector.broadcast %broadcast_in_dim3A_18 : vector<128x1x32xf32> to vector<128x32x32xf32>
    %lt3A_21 = arith.cmpf olt, %lt3A, %lt3A_20 : vector<128x32x32xf32>
    %eq3A = vector.broadcast %broadcast_in_dim3A : vector<128x32x1xf32> to vector<128x32x32xf32>
    %eq3A_22 = vector.broadcast %broadcast_in_dim3A_18 : vector<128x1x32xf32> to vector<128x32x32xf32>
    %eq3A_23 = arith.cmpf oeq, %eq3A, %eq3A_22 : vector<128x32x32xf32>
    %lt3A_24 = arith.cmpi slt, %iota3A, %iota3A_19 : vector<128x32x32xi32>
    %and3A = arith.andi %eq3A_23, %lt3A_24 : vector<128x32x32xi1>
    %or3A = arith.ori %lt3A_21, %and3A : vector<128x32x32xi1>
    %convert_element_type3A = arith.extui %or3A : vector<128x32x32xi1> to vector<128x32x32xi32>
    %reduce_sum3A = arith.constant dense<0> : vector<128x32xi32>
    %reduce_sum3A_25 = vector.multi_reduction <add>, %convert_element_type3A, %reduce_sum3A [1] : vector<128x32x32xi32> to vector<128x32xi32>
    %broadcast_in_dim3A_26 = vector.shape_cast %reduce_sum3A_25 : vector<128x32xi32> to vector<128x32x1xi32>
    %eq3A_27 = vector.broadcast %broadcast_in_dim3A_26 : vector<128x32x1xi32> to vector<128x32x32xi32>
    %eq3A_28 = arith.cmpi eq, %eq3A_27, %iota3A_19 : vector<128x32x32xi32>
    %convert_element_type3A_29 = arith.extui %eq3A_28 : vector<128x32x32xi1> to vector<128x32x32xi32>
    %convert_element_type3A_30 = arith.sitofp %convert_element_type3A_29 : vector<128x32x32xi32> to vector<128x32x32xf32>
    %broadcast_in_dim3A_31 = vector.shape_cast %get3A_1 : vector<128x32xf32> to vector<128x32x1xf32>
    %mul3A = vector.broadcast %broadcast_in_dim3A_31 : vector<128x32x1xf32> to vector<128x32x32xf32>
    %mul3A_32 = arith.mulf %mul3A, %convert_element_type3A_30 : vector<128x32x32xf32>
    %reduce_sum3A_33 = arith.constant dense<0.000000e+00> : vector<128x32xf32>
    %reduce_sum3A_34 = vector.multi_reduction <add>, %mul3A_32, %reduce_sum3A_33 [1] : vector<128x32x32xf32> to vector<128x32xf32>
    %slice3A = vector.extract_strided_slice %reduce_sum3A_34 {offsets = [0, 0], sizes = [128, 1], strides = [1, 1]} : vector<128x32xf32> to vector<128x1xf32>
    %slice3A_35 = vector.extract_strided_slice %reduce_sum3A_34 {offsets = [0, 0], sizes = [128, 31], strides = [1, 1]} : vector<128x32xf32> to vector<128x31xf32>
    %concatenate3A = tpu.concatenate %slice3A, %slice3A_35 in 1 : vector<128x1xf32>, vector<128x31xf32> -> vector<128x32xf32>
    %sub3A = arith.subf %reduce_sum3A_34, %concatenate3A : vector<128x32xf32>
    %slice3A_36 = vector.extract_strided_slice %add3A_17 {offsets = [0, 0], sizes = [128, 32], strides = [1, 1]} : vector<128x33xf32> to vector<128x32xf32>
    %mul3A_37 = arith.mulf %sub3A, %slice3A_36 : vector<128x32xf32>
    %iota3A_38 = tpu.iota {dimensions = array<i32: 1>} : vector<128x32xi32>
    %eq3A_39 = arith.constant 0 : i32
    %eq3A_40 = vector.broadcast %eq3A_39 : i32 to vector<128x32xi32>
    %eq3A_41 = arith.cmpi eq, %iota3A_38, %eq3A_40 : vector<128x32xi32>
    %slice3A_42 = vector.extract_strided_slice %reduce_sum3A_34 {offsets = [0, 0], sizes = [128, 1], strides = [1, 1]} : vector<128x32xf32> to vector<128x1xf32>
    %add3A_43 = arith.addf %slice3A_42, %get3A_7 : vector<128x1xf32>
    %broadcast_in_dim3A_44 = vector.shape_cast %add3A_43 : vector<128x1xf32> to vector<128x1xf32>
    %broadcast_in_dim3A_45 = vector.broadcast %broadcast_in_dim3A_44 : vector<128x1xf32> to vector<128x32xf32>
    %select_n3A = arith.select %eq3A_41, %broadcast_in_dim3A_45, %mul3A_37 : vector<128x32xi1>, vector<128x32xf32>
    %iota3A_46 = tpu.iota {dimensions = array<i32: 0>} : vector<32x32xi32>
    %iota3A_47 = tpu.iota {dimensions = array<i32: 1>} : vector<32x32xi32>
    %le3A = arith.cmpi sle, %iota3A_46, %iota3A_47 : vector<32x32xi32>
    %convert_element_type3A_48 = arith.extui %le3A : vector<32x32xi1> to vector<32x32xi32>
    %convert_element_type3A_49 = arith.sitofp %convert_element_type3A_48 : vector<32x32xi32> to vector<32x32xf32>
    %dot_general3A = arith.constant dense<0.000000e+00> : vector<128x32xf32>
    %dot_general3A_50 = tpu.matmul %select_n3A, %convert_element_type3A_49, %dot_general3A {dimension_numbers = #tpu.dot_dimension_numbers<[1], [0], [0], [1], [0, 0, 1, 1], [], []>, precision = #tpu.contract_precision<fp32>, transpose_lhs_hint = false} : vector<128x32xf32>, vector<32x32xf32>, vector<128x32xf32> -> vector<128x32xf32>
    %broadcast_in_dim3A_51 = arith.constant 0x7F800000 : f32
    %broadcast_in_dim3A_52 = vector.broadcast %broadcast_in_dim3A_51 : f32 to vector<128x1xf32>
    %concatenate3A_53 = tpu.concatenate %reduce_sum3A_34, %broadcast_in_dim3A_52 in 1 : vector<128x32xf32>, vector<128x1xf32> -> vector<128x33xf32>
    %swap3A = arith.constant 0 : index
    %swap3A_54 = arith.constant 0 : index
    %swap3A_55 = vector.load %arg4[%swap3A, %swap3A_54] : memref<128x33xf32, #tpu.memory_space<vmem>>, vector<128x33xf32>
    tpu.vector_store %arg4[%swap3A, %swap3A_54], %concatenate3A_53 {strides = array<i32>} : memref<128x33xf32, #tpu.memory_space<vmem>>, vector<128x33xf32>,
    %swap3A_56 = arith.constant 0 : index
    %swap3A_57 = arith.constant 0 : index
    %swap3A_58 = vector.load %arg5[%swap3A_56, %swap3A_57] : memref<128x33xf32, #tpu.memory_space<vmem>>, vector<128x33xf32>
    tpu.vector_store %arg5[%swap3A_56, %swap3A_57], %add3A_17 {strides = array<i32>} : memref<128x33xf32, #tpu.memory_space<vmem>>, vector<128x33xf32>,
    %slice3A_59 = vector.extract_strided_slice %reduce_sum3A_34 {offsets = [0, 0], sizes = [128, 1], strides = [1, 1]} : vector<128x32xf32> to vector<128x1xf32>
    %concatenate3A_60 = tpu.concatenate %slice3A_59, %reduce_sum3A_34 in 1 : vector<128x1xf32>, vector<128x32xf32> -> vector<128x33xf32>
    %slice3A_61 = vector.extract_strided_slice %dot_general3A_50 {offsets = [0, 0], sizes = [128, 1], strides = [1, 1]} : vector<128x32xf32> to vector<128x1xf32>
    %concatenate3A_62 = tpu.concatenate %slice3A_61, %dot_general3A_50 in 1 : vector<128x1xf32>, vector<128x32xf32> -> vector<128x33xf32>
    %mul3A_63 = arith.mulf %add3A_17, %concatenate3A_60 : vector<128x33xf32>
    %sub3A_64 = arith.subf %concatenate3A_62, %mul3A_63 : vector<128x33xf32>
    %swap3A_65 = arith.constant 0 : index
    %swap3A_66 = arith.constant 0 : index
    %swap3A_67 = vector.load %arg6[%swap3A_65, %swap3A_66] : memref<128x33xf32, #tpu.memory_space<vmem>>, vector<128x33xf32>
    tpu.vector_store %arg6[%swap3A_65, %swap3A_66], %sub3A_64 {strides = array<i32>} : memref<128x33xf32, #tpu.memory_space<vmem>>, vector<128x33xf32>,
    return
  }
  func.func @transform_0(%arg0: i32) -> (i32, i32) {
    %c0_i32 = arith.constant 0 : i32
    %c0_i32_0 = arith.constant 0 : i32
    return %arg0, %c0_i32 : i32, i32
  }
  func.func @transform_1(%arg0: i32) -> (i32, i32) {
    %c0_i32 = arith.constant 0 : i32
    %c0_i32_0 = arith.constant 0 : i32
    return %arg0, %c0_i32 : i32, i32
  }
  func.func @transform_2(%arg0: i32) -> (i32, i32) {
    %c0_i32 = arith.constant 0 : i32
    %c0_i32_0 = arith.constant 0 : i32
    return %arg0, %c0_i32 : i32, i32
  }
  func.func @transform_3(%arg0: i32) -> (i32, i32) {
    %c0_i32 = arith.constant 0 : i32
    %c0_i32_0 = arith.constant 0 : i32
    return %arg0, %c0_i32 : i32, i32
  }
  func.func @transform_4(%arg0: i32) -> (i32, i32) {
    %c0_i32 = arith.constant 0 : i32
    %c0_i32_0 = arith.constant 0 : i32
    return %arg0, %c0_i32 : i32, i32
  }
  func.func @transform_5(%arg0: i32) -> (i32, i32) {
    %c0_i32 = arith.constant 0 : i32
    %c0_i32_0 = arith.constant 0 : i32
    return %arg0, %c0_i32 : i32, i32
  }
}

</mosaic_0001>

<sc_bundles>
// kernel: kernel.4.cloned.1.call-start
scs
__scs_entry_jumppad:
0x0: {  	(pc) =	sbr.rel $0x88, $3  }
0x1: {  	(tag) =	ssettag $0x0;
	lr =	simm.s32 $0x1  }
0x2: {  	[smem:$0x3F9D] =	sst lr;
	_ =	strace $0xD0000000  }
0x3: {  	_ = 	snop  }
0x4: {  	_ = 	snop  }
0x5: {  	_ = 	snop  }
0x6: {  	_ = 	snop  }
0x7: {  	_ = 	snop  }
__scs_overlays_trampoline_lowered:
0x8: {  	[smem:$0x3FAC] =	sst s0  }
0x9: {  	[smem:$0x3FAD] =	sst s1  }
0xa: {  	[smem:$0x3FAE] =	sst s2  }
0xb: {  	[smem:$0x3FAF] =	sst s3  }
0xc: {  	[smem:$0x3FB0] =	sst s4  }
0xd: {  	[smem:$0x3FB1] =	sst s5  }
0xe: {  	[smem:$0x3FB2] =	sst s6  }
0xf: {  	[smem:$0x3FB3] =	sst s7  }
0x10: {  	[smem:$0x3FB4] =	sst s8  }
0x11: {  	[smem:$0x3FB5] =	sst s9;
	s0 =	simm.s32 @!p0 $0x0  }
0x12: {  	s1 =	sld [smem:$0x3F9B];
	s0 =	simm.s32 @p0 $0x1  }
0x13: {  	[smem:$0x3FB6] =	sst s0;
	s0 =	simm.s32 @!p1 $0x0  }
0x14: {  	s2 =	sld [smem:$0x3F9A];
	s0 =	simm.s32 @p1 $0x1  }
0x15: {  	[smem:$0x3FB7] =	sst s0;
	s0 =	simm.s32 @!p2 $0x0  }
0x16: {  	s3 =	sld [smem:$0x3FDB];
	s0 =	simm.s32 @p2 $0x1  }
0x17: {  	s4 =	simm.s32 $0x1BF5;
	[smem:$0x3FB9] =	sst s0  }
0x18: {  	s0 =	sld [smem:$0x3F9C];
	_ =	swait.ge [sflag:s4], $0x0  }
0x19: {  	s7 =	sld [smem:$0x3F9D]  }
0x1a: {  	s8 =	sadd.s32 $0xFFFFE003, lr  }
0x1b: {  	s9 =	sadd.s32 $0xFFFFFEF7, lr;
	s5 =	simm.s32 $0xFFFFFFFF;
	p2 =	slt.u32 s8, $0xFFFFF086  }
0x1c: {  	p1 =	slt.u32 s9, $0xF7A;
	s5 =	simm.s32 @!p2 $0x0  }
0x1d: {  	s5 =	simm.s32 @p1 $0x1;
	p0 =	seq.s32 s7, s2  }
0x1e: {  	s7 =	smul.u32 @!p0 $0xF7A, s2;
	p2 =	seq.s32 @!p0 s5, $0x0  }
0x1f: {  	s9 =	smul.u32 $0xF7A, s1;
	s8 =	simm.s32 @!p0 $0x1BF5;
	p2 =	por !p2, p0  }
0x20: {  	[sflag:s8] =	ssyncset.s32 @!p0 $0xFFFFF086;
	s6 =	sadd.s32 @!p0 s3, s7;
	s7 =	simm.s32 @!p0 $0x108  }
0x21: {  	s3 =	sadd.s32 s3, s9;
	s6 =	sadd.s32 @!p0 $0x88, s6;
	s7 =	simm.s32 @p2 $0x1082  }
0x22: {  	[simem:s7], [sflag:s8] =	dma.local @!p0 [hbm:s6], $0xF7A  }
0x23: {  	s9 =	sor.u32 $0xD0000000, s2;
	s6 =	simm.s32 $0x108;
	_ =	swait.ge @!p0 [sflag:s8], $0x0  }
0x24: {  	s3 =	sadd.s32 $0x88, s3;
	s6 =	simm.s32 @!p1 $0x1082;
	[sflag:s4] =	ssyncset.s32 $0xFFFFF086  }
0x25: {  	[simem:s6], [sflag:s4] =	dma.local [hbm:s3], $0xF7A  }
0x26: {  	[smem:$0x3F9D] =	sst s1;
	(tag) =	ssettag s2;
	_ =	strace s9  }
0x27: {  	s1 =	sld [smem:$0x3FAD]  }
0x28: {  	s2 =	sld [smem:$0x3FAE]  }
0x29: {  	s4 =	sld [smem:$0x3FB0]  }
0x2a: {  	p0 =	seq.s32 s5, $0x0;
	s5 =	sld [smem:$0x3FB1]  }
0x2b: {  	s6 =	sld [smem:$0x3FB2]  }
0x2c: {  	s7 =	sld [smem:$0x3FB3]  }
0x2d: {  	s3 =	simm.s32 $0x108;
	s8 =	sld [smem:$0x3FB4]  }
0x2e: {  	s3 =	simm.s32 @!p0 $0x1082;
	s9 =	sld [smem:$0x3FB5]  }
0x2f: {  	lr =	sadd.s32 s0, s3;
	s0 =	sld [smem:$0x3FAC]  }
0x30: {  	s3 =	sld [smem:$0x3FAF]  }
0x31: {  	[smem:$0x3FB8] =	sst s10  }
0x32: {  	s10 =	sld [smem:$0x3FB6];
	_ =	sdelay $0x3  }
0x33: {  	p0 =	seq.s32 s10, $0x1;
	s10 =	sld [smem:$0x3FB8];
	_ =	sdelay $0x3  }
0x34: {  	[smem:$0x3FB8] =	sst s10  }
0x35: {  	s10 =	sld [smem:$0x3FB7];
	_ =	sdelay $0x3  }
0x36: {  	p1 =	seq.s32 s10, $0x1;
	s10 =	sld [smem:$0x3FB8];
	_ =	sdelay $0x3  }
0x37: {  	[smem:$0x3FB8] =	sst s10  }
0x38: {  	s10 =	sld [smem:$0x3FB9]  }
0x39: {  	_ = 	snop;
	(pc) =	sbr.ind lr, $3  }
0x3a: {  	_ = 	snop  }
0x3b: {  	_ = 	snop  }
0x3c: {  	p2 =	seq.s32 s10, $0x1;
	s10 =	sld [smem:$0x3FB8]  }
0x3d: {  	_ =	shalt  }
0x3e: {  	_ =	shalt  }
0x3f: {  	_ =	shalt  }
0x40: {  	_ =	shalt  }
0x41: {  	_ =	shalt  }
0x42: {  	_ =	shalt  }
0x43: {  	_ =	shalt  }
0x44: {  	_ =	shalt  }
0x45: {  	_ =	shalt  }
0x46: {  	_ =	shalt  }
0x47: {  	_ =	shalt  }
0x48: {  	_ =	shalt  }
0x49: {  	_ =	shalt  }
0x4a: {  	_ =	shalt  }
0x4b: {  	_ =	shalt  }
0x4c: {  	_ =	shalt  }
0x4d: {  	_ =	shalt  }
0x4e: {  	_ =	shalt  }
0x4f: {  	_ =	shalt  }
0x50: {  	_ =	shalt  }
0x51: {  	_ =	shalt  }
0x52: {  	_ =	shalt  }
0x53: {  	_ =	shalt  }
0x54: {  	_ =	shalt  }
0x55: {  	_ =	shalt  }
0x56: {  	_ =	shalt  }
0x57: {  	_ =	shalt  }
0x58: {  	_ =	shalt  }
0x59: {  	_ =	shalt  }
0x5a: {  	_ =	shalt  }
0x5b: {  	_ =	shalt  }
0x5c: {  	_ =	shalt  }
0x5d: {  	_ =	shalt  }
0x5e: {  	_ =	shalt  }
0x5f: {  	_ =	shalt  }
0x60: {  	_ =	shalt  }
0x61: {  	_ =	shalt  }
0x62: {  	_ =	shalt  }
0x63: {  	_ =	shalt  }
0x64: {  	_ =	shalt  }
0x65: {  	_ =	shalt  }
0x66: {  	_ =	shalt  }
0x67: {  	_ =	shalt  }
0x68: {  	_ =	shalt  }
0x69: {  	_ =	shalt  }
0x6a: {  	_ =	shalt  }
0x6b: {  	_ =	shalt  }
0x6c: {  	_ =	shalt  }
0x6d: {  	_ =	shalt  }
0x6e: {  	_ =	shalt  }
0x6f: {  	_ =	shalt  }
0x70: {  	_ =	shalt  }
0x71: {  	_ =	shalt  }
0x72: {  	_ =	shalt  }
0x73: {  	_ =	shalt  }
0x74: {  	_ =	shalt  }
0x75: {  	_ =	shalt  }
0x76: {  	_ =	shalt  }
0x77: {  	_ =	shalt  }
0x78: {  	_ =	shalt  }
0x79: {  	_ =	shalt  }
0x7a: {  	_ =	shalt  }
0x7b: {  	_ =	shalt  }
0x7c: {  	_ =	shalt  }
0x7d: {  	_ =	shalt  }
0x7e: {  	_ =	shalt  }
0x7f: {  	_ =	shalt  }
0x80: {  	_ =	shalt  }
0x81: {  	_ =	shalt  }
0x82: {  	_ =	shalt  }
0x83: {  	_ =	shalt  }
0x84: {  	_ =	shalt  }
0x85: {  	_ =	shalt  }
0x86: {  	_ =	shalt  }
0x87: {  	_ =	shalt  }
.Lfunc_end0:
.L_simem_size_0:
called_computation_lowered:
.L_overlay_start_0:
0x88: {  	s2 =	sld [smem:$0x3FD9]  }
0x89: {  	s3 =	sld [smem:$0x3FFE];
	_ =	sdelay $0x1  }
0x8a: {  	s1 =	srdreg.scid  }
0x8b: {  	s0 =	sand.u32 $0x1, s1  }
0x8c: {  	s14 =	sshll.u32 s0, $0xA;
	s2 =	sadd.s32 s3, s2  }
0x8d: {  	s2 =	sadd.s32 s2, s14  }
0x8e: {  	[smem:$0x3FC4] =	sst s2  }
0x8f: {  	_ = 	snop  }
0x90: {  	s2 =	sld [smem:$0x3FD0];
	_ =	sdelay $0x2  }
0x91: {  	s4 =	simm.s32 $0xA;
	s5 =	simm.s32 $0x10;
	s15 =	sld [smem:$0x3FC9]  }
0x92: {  	[smem:s5], [sflag:s4] =	dma.local [hbm:s2], $0x1  }
0x93: {  	_ =	swait.eq [sflag:s4], $0x1  }
0x94: {  	[sflag:s4] =	ssyncset.done $0x0  }
0x95: {  	s16 =	sld [smem:$0x10];
	[sflag:s4] =	ssyncadd.s32 $0xFFFFFFFF  }
0x96: {  	s17 =	sld [smem:$0x11];
	(tm) =	ssettm $0x1  }
0x97: {  	s18 =	sld [smem:$0x3FFB];
	_ =	sdelay $0x3  }
0x98: {  	_ =	strace s18  }
0x99: {  	s5 =	sld [smem:$0x3FFC];
	_ =	sdelay $0x3  }
0x9a: {  	_ =	strace s5  }
0x9b: {  	s5 =	sld [smem:$0x3FFD];
	_ =	sdelay $0x3  }
0x9c: {  	_ =	strace s5  }
0x9d: {  	_ =	strace $0x8FFFFFFF  }
0x9e: {  	s19 =	sld [smem:$0x3FDB];
	_ =	sdelay $0x1  }
0x9f: {  	s6 =	simm.s32 $_scs_section_size  }
0xa0: {  	s7 =	simm.s32 $_size__tile_overlayer_lowered;
	s8 =	simm.s32 $_tile_overlayer_lowered  }
0xa1: {  	s22 =	simm.s32 $0x1BFF;
	s21 =	sshll.u32 s8, $0x1;
	s5 =	sadd.s32 s6, s19  }
0xa2: {  	s9 =	simm.s32 $0x0;
	s20 =	sshll.u32 s7, $0x1;
	s7 =	sadd.s32 s21, s5  }
0xa3: {  	[timem:s9], [sflag:s22] =	dma.local [hbm:s7], s20  }
0xa4: {  	_ =	swait.ge [sflag:s22], s20  }
0xa5: {  	s6 =	ssub.s32 $0x0, s20;
	[sflag:s22] =	ssyncset.done $0x0  }
0xa6: {  	[sflag:s22] =	ssyncadd.s32 s6;
	_ =	sdelay $0x1  }
0xa7: {  	s23 =	simm.s32 $0x1B8B  }
0xa8: {  	_ =	swait.ge [sflag:s23], $0x1  }
0xa9: {  	[sflag:s23] =	ssyncset.done $0x0  }
0xaa: {  	s25 =	simm.s32 $0x1B8E;
	s24 =	sld [smem:$0x3FFE];
	[sflag:s23] =	ssyncadd.s32 $0xFFFFFFFF  }
0xab: {  	s26 =	simm.s32 $execute0_lowered;
	[smem:$0x3FD2] =	sst s25  }
0xac: {  	s7 =	sshll.u32 s26, $0x1;
	_ =	strace $0x80000046;
	[dreg:$0x1] =	wrdreg $0xFFFFFFFF  }
0xad: {  	s28 =	simm.s32 $_size_execute0_lowered;
	s5 =	sadd.s32 s5, s7;
	[dreg:$0x0] =	wrdreg $0x0  }
0xae: {  	s7 =	sshll.u32 s28, $0x1;
	[dreg:$0x2] =	wrdreg s5  }
0xaf: {  	[dreg:$0x3] =	wrdreg s7  }
0xb0: {  	[dreg:$0x4] =	wrdreg $0xC0  }
0xb1: {  	_ =	task [dreg:s9], $0x5FFFF  }
0xb2: {  	[dreg:$0x1] =	wrdreg $0xFFFFFFFF  }
0xb3: {  	[dreg:$0x0] =	wrdreg $0x60  }
0xb4: {  	[dreg:$0x2] =	wrdreg s15  }
0xb5: {  	[dreg:$0x3] =	wrdreg s24  }
0xb6: {  	[dreg:$0x4] =	wrdreg s16  }
0xb7: {  	[dreg:$0x5] =	wrdreg s17  }
0xb8: {  	[dreg:$0x6] =	wrdreg $0x9  }
0xb9: {  	_ =	task.clear_ibuf [dreg:s9], $0x7FFFF;
	_ =	strace $0x90000046  }
0xba: {  	s29 =	simm.s32 $0x9;
	_ =	strace $0x80000048  }
0xbb: {  	_ =	swait.ge [sflag:s29], $0x1  }
0xbc: {  	[sflag:s29] =	ssyncadd.s32 $0xFFFFFFFF  }
0xbd: {  	_ =	strace $0x90000048  }
0xbe: {  	_ =	sfence  }
0xbf: {  	s30 =	sld [smem:$0x0];
	_ =	sdelay $0x2  }
0xc0: {  	s31 =	sshll.u32 s1, $0xD;
	s1 =	sshrl.u32 s1, $0x2  }
0xc1: {  	s3 =	sand.u32 $0x4000, s31;
	s1 =	sadd.s32 s1, s30  }
0xc2: {  	s0 =	sor.u32 s3, s0;
	s1 =	sshll.u32 s1, $0x11  }
0xc3: {  	s0 =	sor.u32 s1, s0  }
0xc4: {  	s0 =	sadd.s32 $0x8F2B, s0  }
0xc5: {  	[sflag:s0] =	ssyncadd.remote.s32 $0x1  }
0xc6: {  	_ =	sfence.sel $0xFFFF  }
0xc7: {  	[dreg:$0x0] =	wrdreg $0xFFFFFFFF;
	(pc) =	sbr.abs _section_cstart, $3  }
0xc8: {  	[dreg:$0x1] =	wrdreg $0xFFFFFFFF  }
0xc9: {  	_ =	task.clear_ibuf [dreg:s9], $0x2FFFF;
	_ =	strace $0x9FFFFFFF  }
0xca: {  	(tm) =	ssettm $0x7FFFFFFF  }
0xcb: {  	_ =	shalt  }
tec
execute0_lowered:
.L_overlay_start_1:
0x0: {  	(tag) =	ssettag $0x1  }
0x1: {  	s7 =	rddreg [dreg:$0x0]  }
0x2: {  	s0 =	rddreg [dreg:$0x1];
	s4 =	stileid.u32  }
0x3: {  	s5 =	simm.s32 $0x0;
	s1 =	srdreg.scid;
	s2 =	sshll.u32 s4, $0x1  }
0x4: {  	[smem:$0x7FF] =	sst s5;
	s1 =	sand.u32 $0x1, s1;
	s4 =	sshrl.u32 s4, $0x1  }
0x5: {  	s2 =	sand.u32 $0x2, s2;
	_ =	strace $0x80000047;
	s24 =	sshll.u32 s4, $0x16  }
0x6: {  	s25 =	sshll.u32 s4, $0xB;
	s2 =	sor.u32 s1, s2;
	s1 =	ssub.s32 $0x2, s1  }
0x7: {  	[dreg:$0x7] =	wrdreg s25;
	s30 =	sor.u32 $0x20, s25;
	s3 =	smul.u32 $0x840, s2  }
0x8: {  	s6 =	sshrl.u32 s1, $0x1;
	s8 =	sshll.u32 s2, $0xC;
	[dreg:$0xc] =	wrdreg s30  }
0x9: {  	s1 =	ssub.s32 s1, s6;
	[dreg:$0x5] =	wrdreg s8;
	s2 =	sor.u32 s24, s8  }
0xa: {  	s0 =	sadd.s32 s3, s0;
	[dreg:$0x6] =	wrdreg s2;
	s31 =	smax.u32 s1, $0x1  }
0xb: {  	s16 =	simm.s32 $0x4200;
	s26 =	sadd.s32 $0x800, s0;
	[dreg:$0xd] =	wrdreg s31  }
0xc: {  	s17 =	simm.s32 $0x8400;
	s28 =	sadd.s32 $0x2A00, s0;
	[dreg:$0x8] =	wrdreg s26  }
0xd: {  	s2 =	sshrl.u32 s2, $0x3;
	s0 =	sadd.s32 $0x4C00, s0;
	[dreg:$0x9] =	wrdreg s28  }
0xe: {  	v0 =	vlaneseq.u32;
	s4 =	simm.s32 $0x4000;
	s29 =	sadd.s32 s7, s2;
	[dreg:$0xa] =	wrdreg s0  }
0xf: {  	v1 =	vor.u32 $0x1E00, v0;
	v2 =	vor.u32 $0x2000, v0;
	s3 =	simm.s32 $0x1000;
	s2 =	simm.s32 $0x0;
	[dreg:$0xb] =	wrdreg s29  }
.LBB2_1:
0x10: {  	[dreg:$0xe] =	wrdreg s2  }
0x11: {  	s0 =	rddreg [dreg:$0x8];
	s1 =	simm.s32 $0x5  }
0x12: {  	[tilespmem:s5], [sflag:$0x5] =	stream.linear.gather [hbm4b:s0+s5], $0x4200, $0x38;
	[tilespmem:$0x18600] =	vst v63  }
0x13: {  	_ =	swait.ge [sflag:s1], $0x4200  }
0x14: {  	[sflag:s1] =	ssyncset.done $0x0  }
0x15: {  	s28 =	rddreg [dreg:$0x9];
	[sflag:s1] =	ssyncadd.s32 $0xFFFFBE00  }
0x16: {  	[tilespmem:s16], [sflag:$0x5] =	stream.linear.gather [hbm4b:s28+s5], $0x4200, $0x38;
	[tilespmem:$0x18600] =	vst v63  }
0x17: {  	_ =	swait.ge [sflag:s1], $0x4200  }
0x18: {  	[sflag:s1] =	ssyncset.done $0x0  }
0x19: {  	s29 =	rddreg [dreg:$0xa];
	[sflag:s1] =	ssyncadd.s32 $0xFFFFBE00  }
0x1a: {  	[tilespmem:s17], [sflag:$0x5] =	stream.linear.gather [hbm4b:s29+s5], $0x4200, $0x38;
	[tilespmem:$0x18600] =	vst v63  }
0x1b: {  	_ =	swait.ge [sflag:s1], $0x4200  }
0x1c: {  	s31 =	simm.s32 $0xC600;
	[sflag:s1] =	ssyncset.done $0x0  }
0x1d: {  	s0 =	simm.s32 $0x0;
	s30 =	rddreg [dreg:$0xb];
	[sflag:s1] =	ssyncadd.s32 $0xFFFFBE00  }
0x1e: {  	[tilespmem:s31], [sflag:$0x1] =	stream.strided.gather [hbm4b:s30+s3], $0x2000, s4, s3, $0x38;
	[tilespmem:$0x18600] =	vst v63  }
.LBB2_2:
0x1f: {  	s2 =	sshll.u32 s0, $0x5;
	s1 =	rddreg [dreg:$0x7]  }
0x20: {  	s1 =	sadd.s32 s2, s1  }
0x21: {  	s7 =	rddreg [dreg:$0x5];
	s1 =	sshll.u32 s1, $0xB  }
0x22: {  	s1 =	sadd.s32 s7, s1  }
0x23: {  	s9 =	rddreg [dreg:$0x0];
	s1 =	sadd.s32 $0x8000, s1  }
0x24: {  	s10 =	simm.s32 $0xE600;
	[dreg:$0x10] =	wrdreg s2;
	s8 =	sshrl.u32 s1, $0x3  }
0x25: {  	s11 =	simm.s32 $0x1;
	[dreg:$0xf] =	wrdreg s8;
	s1 =	sadd.s32 s9, s8  }
0x26: {  	[tilespmem:s10], [sflag:$0x2] =	stream.strided.gather [hbm4b:s1+s3], $0x2000, s4, s3, $0x38;
	[tilespmem:$0x18600] =	vst v63  }
0x27: {  	_ =	swait.ge [sflag:s11], $0x2000  }
0x28: {  	p0 =	seq.s32 s0, $0x0;
	s6 =	simm.s32 $0x0;
	[sflag:s11] =	ssyncset.done $0x0  }
0x29: {  	s7 =	sand.u32 $0x1C0, s6;
	s1 =	simm.s32 @!p0 $0x3;
	[sflag:s11] =	ssyncadd.s32 $0xFFFFE000  }
0x2a: {  	s8 =	sor.u32 $0x30, s7;
	_ =	swait.ge @!p0 [sflag:s1], $0x2000  }
0x2b: {  	v3 =	vor.u32 s8, v1;
	[sflag:s1] =	ssyncset.done @!p0 $0x0  }
0x2c: {  	s12 =	sand.u32 $0x1000, s6;
	[sflag:s1] =	ssyncadd.s32 @!p0 $0xFFFFE000  }
0x2d: {  	s13 =	sand.u32 $0xC00, s6;
	s14 =	sand.u32 $0x380, s6;
	_ =	swait.ge @!p0 [sflag:s1], $0x2000  }
0x2e: {  	s3 =	sor.u32 s13, s12;
	s18 =	sand.u32 $0x70, s8;
	[sflag:s1] =	ssyncset.done @!p0 $0x0  }
0x2f: {  	s15 =	sor.u32 s14, s3;
	s11 =	sor.u32 $0x10, s7;
	[sflag:s1] =	ssyncadd.s32 @!p0 $0xFFFFE000  }
0x30: {  	s4 =	sor.u32 s18, s15;
	v4 =	vor.u32 s11, v1;
	v3 =	vld.idx.msk [tilespmem:v3+s5+$0x0], $0xffff  }
0x31: {  	v17 =	vld [tilespmem:s4+$0xC600];
	_ =	sdelay $0x1  }
0x32: {  	v5 =	vor.u32 s7, v1  }
0x33: {  	s19 =	sand.u32 $0x50, s11  }
0x34: {  	s3 =	sor.u32 s19, s15;
	v4 =	vld.idx.msk [tilespmem:v4+s5+$0x0], $0xffff  }
0x35: {  	v16 =	vld [tilespmem:s3+$0xC600];
	vm0 =	vlt.f32 v3, v17  }
0x36: {  	s6 =	sand.u32 $0x40, s6;
	v3 =	vsel vm0, v2, v0  }
0x37: {  	s10 =	sor.u32 s6, s15;
	v5 =	vld.idx.msk [tilespmem:v5+s5+$0x0], $0xffff;
	v3 =	vor.u32 s8, v3  }
0x38: {  	v15 =	vld [tilespmem:s10+$0xC600];
	v6 =	vor.u32 $0xE00, v3;
	_ =	sdelay $0x1  }
0x39: {  	vm0 =	vlt.f32 v4, v16  }
0x3a: {  	s20 =	sor.u32 $0x20, s7;
	v4 =	vsel vm0, v2, v0  }
0x3b: {  	v8 =	vor.u32 s20, v1;
	v4 =	vor.u32 s11, v4  }
0x3c: {  	vm0 =	vlt.f32 v5, v15;
	v7 =	vor.u32 $0xE00, v4;
	v5 =	vld.idx.msk [tilespmem:v6+s5+$0x0], $0xffff;
	_ =	sdelay $0x1  }
0x3d: {  	v6 =	vsel vm0, v2, v0  }
0x3e: {  	v6 =	vor.u32 s7, v6  }
0x3f: {  	s21 =	sand.u32 $0x60, s20;
	v8 =	vld.idx.msk [tilespmem:v8+s5+$0x0], $0xffff;
	v9 =	vor.u32 $0xE00, v6  }
0x40: {  	s11 =	sor.u32 s21, s15;
	v7 =	vld.idx.msk [tilespmem:v7+s5+$0x0], $0xffff;
	vm0 =	vlt.f32 v5, v17;
	v5 =	vor.u32 $0x1000, v3  }
0x41: {  	v14 =	vld [tilespmem:s11+$0xC600];
	v3 =	vsel vm0, v5, v3  }
0x42: {  	v5 =	vor.u32 $0x600, v3;
	_ =	sdelay $0x1  }
0x43: {  	v9 =	vld.idx.msk [tilespmem:v9+s5+$0x0], $0xffff  }
0x44: {  	s22 =	simm.s32 $0x40;
	v10 =	vor.u32 $0x1000, v4;
	vm0 =	vlt.f32 v7, v16  }
0x45: {  	s24 =	simm.s32 $0x200;
	s23 =	sand.u32 $0x1C0, s22;
	s25 =	sand.u32 $0x1000, s22;
	v4 =	vsel vm0, v10, v4;
	vm0 =	vlt.f32 v8, v14  }
0x46: {  	s13 =	sor.u32 $0x30, s23;
	s12 =	simm.s32 $0x10;
	s6 =	sand.u32 $0xC00, s24;
	v7 =	vor.u32 $0x600, v4;
	v8 =	vsel vm0, v2, v0;
	v5 =	vld.idx.msk [tilespmem:v5+s5+$0x0], $0xffff  }
0x47: {  	s26 =	sand.u32 $0x380, s12;
	s6 =	sor.u32 s6, s25;
	v10 =	vor.u32 s13, v1;
	v8 =	vor.u32 s20, v8  }
0x48: {  	s2 =	sand.u32 $0x70, s13;
	s6 =	sor.u32 s26, s6;
	vm0 =	vlt.f32 v9, v15;
	v9 =	vor.u32 $0xE00, v8  }
0x49: {  	v12 =	vor.u32 s23, v1;
	s15 =	sor.u32 $0x10, s23;
	s7 =	sor.u32 s2, s6;
	v11 =	vor.u32 $0x1000, v6  }
0x4a: {  	v13 =	vor.u32 s15, v1;
	v18 =	vld [tilespmem:s7+$0xC600];
	v11 =	vsel vm0, v11, v6  }
0x4b: {  	s20 =	sor.u32 $0x20, s23;
	v7 =	vld.idx.msk [tilespmem:v7+s5+$0x0], $0xffff;
	v6 =	vor.u32 $0x600, v11;
	vm0 =	vlt.f32 v5, v17;
	v5 =	vor.u32 $0x800, v3  }
0x4c: {  	v19 =	vor.u32 s20, v1;
	v10 =	vld.idx.msk [tilespmem:v10+s5+$0x0], $0xffff;
	v5 =	vsel vm0, v5, v3  }
0x4d: {  	v3 =	vld.idx.msk [tilespmem:v9+s5+$0x0], $0xffff;
	v9 =	vadd.s32 $0x200, v5  }
0x4e: {  	v12 =	vld.idx.msk [tilespmem:v12+s5+$0x0], $0xffff  }
0x4f: {  	v13 =	vld.idx.msk [tilespmem:v13+s5+$0x0], $0xffff  }
0x50: {  	vm0 =	vlt.f32 v7, v16;
	v20 =	vld.idx.msk [tilespmem:v6+s5+$0x0], $0xffff;
	v6 =	vor.u32 $0x800, v4  }
0x51: {  	s8 =	sand.u32 $0x40, s22;
	v19 =	vld.idx.msk [tilespmem:v19+s5+$0x0], $0xffff;
	vm1 =	vlt.f32 v10, v18;
	v10 =	vsel vm0, v6, v4  }
0x52: {  	s12 =	sor.u32 s8, s6;
	s14 =	sand.u32 $0x50, s15;
	v6 =	vsel vm1, v2, v0;
	v21 =	vadd.s32 $0x200, v10;
	v9 =	vld.idx.msk [tilespmem:v9+s5+$0x0], $0xffff  }
0x53: {  	s30 =	sor.u32 s14, s6;
	s9 =	sand.u32 $0x60, s20;
	v7 =	vor.u32 $0x1000, v8;
	v4 =	vld [tilespmem:s12+$0xC600];
	v22 =	vor.u32 s13, v6;
	vm0 =	vlt.f32 v3, v14  }
0x54: {  	s14 =	sor.u32 s9, s6;
	v6 =	vld [tilespmem:s30+$0xC600];
	v7 =	vsel vm0, v7, v8;
	v8 =	vor.u32 $0xE00, v22  }
0x55: {  	v24 =	vor.u32 $0x800, v11;
	v3 =	vld [tilespmem:s14+$0xC600];
	vm0 =	vlt.f32 v20, v15;
	v23 =	vor.u32 $0x600, v7  }
0x56: {  	v11 =	vsel vm0, v24, v11  }
0x57: {  	v20 =	vadd.s32 $0x200, v11;
	v21 =	vld.idx.msk [tilespmem:v21+s5+$0x0], $0xffff;
	vm0 =	vlt.f32 v9, v17;
	v9 =	vadd.s32 $0x400, v5  }
0x58: {  	v5 =	vsel vm0, v9, v5  }
0x59: {  	v8 =	vld.idx.msk [tilespmem:v8+s5+$0x0], $0xffff;
	vm0 =	vlt.f32 v12, v4  }
0x5a: {  	vm1 =	vlt.f32 v19, v3;
	v12 =	vld.idx.msk [tilespmem:v23+s5+$0x0], $0xffff;
	v23 =	vsel vm0, v2, v0;
	vm0 =	vlt.f32 v13, v6  }
0x5b: {  	v9 =	vor.u32 $0x800, v7;
	v19 =	vor.u32 s23, v23;
	v13 =	vsel vm0, v2, v0  }
0x5c: {  	v20 =	vld.idx.msk [tilespmem:v20+s5+$0x0], $0xffff;
	v23 =	vsel vm1, v2, v0;
	vm0 =	vlt.f32 v21, v16;
	v25 =	vor.u32 s15, v13  }
0x5d: {  	v24 =	vor.u32 $0xE00, v19;
	v23 =	vor.u32 s20, v23;
	v26 =	vor.u32 $0xE00, v25;
	v28 =	vld.idx.msk [tilespmem:v5+s5+$0x0], $0xffff  }
0x5e: {  	v13 =	vadd.s32 $0x400, v10;
	vm1 =	vlt.f32 v8, v18;
	v8 =	vor.u32 $0x1000, v22  }
0x5f: {  	v27 =	vor.u32 $0xE00, v23;
	vm2 =	vlt.f32 v12, v14;
	v8 =	vsel vm1, v8, v22  }
0x60: {  	v12 =	vsel vm0, v13, v10;
	v10 =	vsel vm2, v9, v7;
	v7 =	vor.u32 $0x600, v8  }
0x61: {  	s18 =	simm.s32 $0x80;
	v9 =	vadd.s32 $0x400, v11;
	vm0 =	vlt.f32 v20, v15  }
0x62: {  	s24 =	sand.u32 $0x1000, s18;
	s22 =	simm.s32 $0x400;
	v13 =	vsel vm0, v9, v11;
	v11 =	vadd.s32 $0x200, v5;
	v9 =	vld.idx.msk [tilespmem:v26+s5+$0x0], $0xffff;
	vm0 =	vlt.f32 v28, v17  }
0x63: {  	s25 =	simm.s32 $0x20;
	s19 =	sand.u32 $0x1C0, s18;
	s13 =	sand.u32 $0xC00, s22;
	v20 =	vld.idx.msk [tilespmem:v24+s5+$0x0], $0xffff;
	v11 =	vsel vm0, v11, v5  }
0x64: {  	s26 =	sand.u32 $0x380, s25;
	s13 =	sor.u32 s13, s24;
	s23 =	sor.u32 $0x30, s19;
	v22 =	vld.idx.msk [tilespmem:v27+s5+$0x0], $0xffff;
	v5 =	vor.u32 s19, v1  }
0x65: {  	s24 =	sor.u32 s26, s13;
	s2 =	sand.u32 $0x70, s23;
	v26 =	vor.u32 s23, v1;
	v7 =	vld.idx.msk [tilespmem:v7+s5+$0x0], $0xffff  }
0x66: {  	s8 =	sor.u32 $0x10, s19;
	s13 =	sor.u32 s2, s24;
	v24 =	vld.idx.msk [tilespmem:v12+s5+$0x0], $0xffff  }
0x67: {  	v30 =	vor.u32 s8, v1;
	v28 =	vor.u32 $0x1000, v25;
	vm0 =	vlt.f32 v9, v6;
	v9 =	vld [tilespmem:s13+$0xC600]  }
0x68: {  	v25 =	vsel vm0, v28, v25;
	v29 =	vld.idx.msk [tilespmem:v11+s5+$0x0], $0xffff  }
0x69: {  	s21 =	sor.u32 $0x20, s19;
	s6 =	sand.u32 $0x40, s18;
	v21 =	vadd.s32 $0x200, v10;
	v28 =	vld.idx.msk [tilespmem:v5+s5+$0x0], $0xffff;
	v31 =	vor.u32 $0x600, v25  }
0x6a: {  	s15 =	sor.u32 s6, s24;
	vm0 =	vlt.f32 v7, v18;
	v5 =	vor.u32 $0x800, v8;
	v7 =	vld.idx.msk [tilespmem:v26+s5+$0x0], $0xffff;
	v26 =	vor.u32 s21, v1  }
0x6b: {  	s9 =	sand.u32 $0x50, s8;
	v32 =	vsel vm0, v5, v8;
	v8 =	vor.u32 $0x1000, v19;
	vm0 =	vlt.f32 v20, v4;
	v5 =	vld [tilespmem:s15+$0xC600]  }
0x6c: {  	s20 =	sor.u32 s9, s24;
	v33 =	vsel vm0, v8, v19;
	v19 =	vld.idx.msk [tilespmem:v30+s5+$0x0], $0xffff  }
0x6d: {  	v20 =	vadd.s32 $0x200, v32;
	v8 =	vld [tilespmem:s20+$0xC600]  }
0x6e: {  	s25 =	simm.s32 $0xC0;
	v34 =	vor.u32 $0x1000, v23;
	v21 =	vld.idx.msk [tilespmem:v21+s5+$0x0], $0xffff;
	vm1 =	vlt.f32 v22, v3  }
0x6f: {  	s28 =	sand.u32 $0x60, s21;
	s6 =	sand.u32 $0x1C0, s25;
	v30 =	vor.u32 $0x600, v33;
	vm0 =	vlt.f32 v29, v17;
	v29 =	vadd.s32 $0x200, v11;
	v22 =	vld.idx.msk [tilespmem:v31+s5+$0x0], $0xffff  }
0x70: {  	s31 =	sor.u32 s28, s24;
	s22 =	sor.u32 $0x30, s6;
	v38 =	vadd.s32 $0x400, v10;
	v23 =	vsel vm1, v34, v23;
	v26 =	vld.idx.msk [tilespmem:v26+s5+$0x0], $0xffff;
	v11 =	vsel vm0, v29, v11  }
0x71: {  	vm0 =	vlt.f32 v7, v9;
	vm1 =	vlt.f32 v28, v5;
	v28 =	vor.u32 s22, v1;
	v7 =	vld [tilespmem:s31+$0xC600]  }
0x72: {  	s29 =	simm.s32 $0x600;
	v31 =	vld.idx.msk [tilespmem:v20+s5+$0x0], $0xffff;
	v20 =	vsel vm0, v2, v0;
	v35 =	vsel vm1, v2, v0;
	vm0 =	vlt.f32 v19, v8  }
0x73: {  	s18 =	sand.u32 $0x1000, s25;
	v27 =	vld.idx.msk [tilespmem:v13+s5+$0x0], $0xffff;
	v36 =	vor.u32 s23, v20;
	v35 =	vor.u32 s19, v35;
	s19 =	sand.u32 $0xC00, s29;
	v20 =	vsel vm0, v2, v0  }
0x74: {  	s1 =	simm.s32 $0x30;
	v34 =	vor.u32 $0x600, v23;
	v29 =	vor.u32 $0x800, v25;
	v30 =	vld.idx.msk [tilespmem:v30+s5+$0x0], $0xffff;
	s23 =	sor.u32 s19, s18;
	v37 =	vor.u32 s8, v20;
	s19 =	sor.u32 $0x10, s6  }
0x75: {  	s26 =	sand.u32 $0x380, s1;
	vm1 =	vlt.f32 v22, v6;
	v22 =	vor.u32 $0xE00, v36;
	v44 =	vor.u32 s19, v1;
	v19 =	vld.idx.msk [tilespmem:v11+s16+$0x0], $0xffff  }
0x76: {  	s9 =	sand.u32 $0x70, s22;
	s2 =	sor.u32 s26, s23;
	v25 =	vsel vm1, v29, v25;
	v20 =	vld.idx.msk [tilespmem:v11+s17+$0x0], $0xffff;
	v29 =	vor.u32 s6, v1;
	vm1 =	vlt.f32 v26, v7  }
0x77: {  	s24 =	sand.u32 $0x50, s19;
	s23 =	sor.u32 s9, s2;
	v28 =	vld.idx.msk [tilespmem:v28+s5+$0x0], $0xffff;
	v26 =	vadd.s32 $0x200, v12;
	vm0 =	vlt.f32 v31, v18;
	v31 =	vadd.s32 $0x400, v32  }
0x78: {  	s18 =	sand.u32 $0x40, s25;
	s24 =	sor.u32 s24, s2;
	v11 =	vld [tilespmem:s23+$0xC600];
	v49 =	vsel vm1, v2, v0;
	vm1 =	vlt.f32 v24, v16;
	v31 =	vsel vm0, v31, v32  }
0x79: {  	v32 =	vor.u32 s21, v49;
	vm0 =	vlt.f32 v21, v14;
	s21 =	sor.u32 s18, s2;
	v26 =	vsel vm1, v26, v12;
	v12 =	vld [tilespmem:s24+$0xC600]  }
0x7a: {  	v40 =	vadd.s32 $0x200, v25;
	v38 =	vsel vm0, v38, v10;
	v10 =	vld [tilespmem:s21+$0xC600]  }
0x7b: {  	v39 =	vadd.s32 $0x200, v13;
	vm2 =	vlt.f32 v27, v15;
	v22 =	vld.idx.msk [tilespmem:v22+s5+$0x0], $0xffff  }
0x7c: {  	v41 =	vor.u32 $0x800, v23;
	v39 =	vsel vm2, v39, v13;
	v43 =	vor.u32 $0x800, v33;
	v44 =	vld.idx.msk [tilespmem:v44+s5+$0x0], $0xffff  }
0x7d: {  	v59 =	vadd.s32 $0x200, v39;
	v54 =	vor.u32 $0x1000, v35;
	v42 =	vor.u32 $0xE00, v37;
	v29 =	vld.idx.msk [tilespmem:v29+s5+$0x0], $0xffff  }
0x7e: {  	v34 =	vld.idx.msk [tilespmem:v34+s5+$0x0], $0xffff;
	v53 =	vor.u32 $0x1000, v37;
	v24 =	vor.u32 $0xE00, v35;
	vm0 =	vlt.f32 v30, v4  }
0x7f: {  	v52 =	vadd.s32 $0x400, v25;
	v62 =	vadd.s32 $0x200, v26;
	v30 =	vsel vm0, v43, v33;
	v50 =	vld.idx.msk [tilespmem:v40+s5+$0x0], $0xffff  }
0x80: {  	v27 =	vadd.s32 $0x200, v30;
	v17 =	vmul.f32 v19, v17;
	vm0 =	vlt.f32 v28, v11;
	v28 =	vld.idx.msk [tilespmem:v31+s5+$0x0], $0xffff  }
0x81: {  	v21 =	vsel vm0, v2, v0;
	v56 =	vld.idx.msk [tilespmem:v26+s5+$0x0], $0xffff;
	vm0 =	vlt.f32 v22, v9;
	v22 =	vor.u32 $0x1000, v36  }
0x82: {  	v13 =	vld.idx.msk [tilespmem:v42+s5+$0x0], $0xffff;
	vm2 =	vlt.f32 v44, v12;
	vm1 =	vlt.f32 v29, v10;
	v22 =	vsel vm0, v22, v36  }
0x83: {  	v45 =	vld.idx.msk [tilespmem:v24+s5+$0x0], $0xffff;
	v29 =	vor.u32 $0xE00, v32;
	v24 =	vsel vm1, v2, v0;
	v46 =	vor.u32 $0x600, v22  }
0x84: {  	vm0 =	vlt.f32 v50, v6;
	vm1 =	vlt.f32 v34, v3;
	v24 =	vor.u32 s6, v24  }
0x85: {  	v57 =	vld.idx.msk [tilespmem:v39+s5+$0x0], $0xffff;
	s6 =	sor.u32 $0x20, s6;
	v25 =	vsel vm0, v52, v25;
	vm0 =	vlt.f32 v28, v18;
	v28 =	vadd.s32 $0x200, v31  }
0x86: {  	v27 =	vld.idx.msk [tilespmem:v27+s5+$0x0], $0xffff;
	v23 =	vsel vm1, v41, v23;
	vm1 =	vlt.f32 v56, v16;
	v55 =	vor.u32 s6, v1  }
0x87: {  	v47 =	vld.idx.msk [tilespmem:v38+s5+$0x0], $0xffff;
	v31 =	vsel vm0, v28, v31;
	vm0 =	vlt.f32 v13, v8;
	v13 =	vsel vm2, v2, v0;
	s26 =	sand.u32 $0x60, s6  }
0x88: {  	v26 =	vsel vm1, v62, v26;
	v37 =	vsel vm0, v53, v37;
	vm0 =	vlt.f32 v45, v5;
	s28 =	sor.u32 s26, s2;
	v29 =	vld.idx.msk [tilespmem:v29+s5+$0x0], $0xffff  }
0x89: {  	v28 =	vor.u32 s19, v13;
	v35 =	vsel vm0, v54, v35;
	v43 =	vor.u32 $0x600, v37;
	v13 =	vld [tilespmem:s28+$0xC600]  }
0x8a: {  	v51 =	vadd.s32 $0x200, v38;
	v61 =	vadd.s32 $0x400, v30;
	v58 =	vld.idx.msk [tilespmem:v46+s5+$0x0], $0xffff;
	v60 =	vor.u32 $0x600, v35  }
0x8b: {  	v42 =	vadd.f32 v17, v20;
	vm0 =	vlt.f32 v27, v4;
	v27 =	vadd.s32 $0x200, v23;
	v33 =	vld.idx.msk [tilespmem:v55+s5+$0x0], $0xffff  }
0x8c: {  	v21 =	vor.u32 s22, v21;
	v49 =	vor.u32 $0x800, v22;
	v20 =	vadd.s32 $0x200, v25;
	v63 =	vld.idx.msk [tilespmem:v31+s5+$0x0], $0xffff  }
0x8d: {  	v53 =	vadd.s32 $0x200, v31;
	v30 =	vsel vm0, v61, v30;
	vm0 =	vlt.f32 v47, v14;
	v45 =	vld.idx.msk [tilespmem:v26+s16+$0x0], $0xffff  }
0x8e: {  	v38 =	vsel vm0, v51, v38;
	vm0 =	vlt.f32 v57, v15;
	v51 =	vor.u32 $0x1000, v32;
	v50 =	vld.idx.msk [tilespmem:v43+s5+$0x0], $0xffff  }
0x8f: {  	v57 =	vor.u32 $0x800, v35;
	v39 =	vsel vm0, v59, v39;
	vm1 =	vlt.f32 v58, v9;
	v41 =	vld.idx.msk [tilespmem:v60+s5+$0x0], $0xffff  }
0x90: {  	v55 =	vor.u32 $0x800, v37;
	v27 =	vld.idx.msk [tilespmem:v27+s5+$0x0], $0xffff;
	vm0 =	vlt.f32 v29, v7;
	v34 =	vsel vm1, v49, v22  }
0x91: {  	v48 =	vld.idx.msk [tilespmem:v25+s5+$0x0], $0xffff;
	v59 =	vadd.s32 $0x400, v23;
	v32 =	vsel vm0, v51, v32;
	v29 =	vadd.s32 $0x200, v34  }
0x92: {  	v26 =	vld.idx.msk [tilespmem:v26+s17+$0x0], $0xffff;
	v60 =	vor.u32 $0xE00, v21;
	v56 =	vor.u32 $0x600, v32;
	vm2 =	vlt.f32 v63, v18  }
0x93: {  	v52 =	vld.idx.msk [tilespmem:v30+s5+$0x0], $0xffff;
	vm1 =	vlt.f32 v33, v13;
	v16 =	vmul.f32 v45, v16;
	v31 =	vsel vm2, v53, v31  }
0x94: {  	v54 =	vld.idx.msk [tilespmem:v38+s5+$0x0], $0xffff;
	v22 =	vsel vm1, v2, v0;
	vm0 =	vlt.f32 v50, v8;
	vm1 =	vlt.f32 v41, v5  }
0x95: {  	v46 =	vld.idx.msk [tilespmem:v39+s16+$0x0], $0xffff;
	v37 =	vsel vm0, v55, v37;
	vm0 =	vlt.f32 v27, v3;
	v35 =	vsel vm1, v57, v35  }
0x96: {  	v58 =	vadd.s32 $0x200, v37;
	v41 =	vsel vm0, v59, v23;
	vm0 =	vlt.f32 v48, v6;
	v29 =	vld.idx.msk [tilespmem:v29+s5+$0x0], $0xffff  }
0x97: {  	v27 =	vadd.s32 $0x200, v35;
	v48 =	vsel vm0, v20, v25;
	v25 =	vld.idx.msk [tilespmem:v56+s5+$0x0], $0xffff  }
0x98: {  	v16 =	vadd.f32 v16, v26;
	v26 =	vor.u32 $0xE00, v24;
	v23 =	vld.idx.msk [tilespmem:v31+s16+$0x0], $0xffff  }
0x99: {  	v17 =	vadd.s32 $0x200, v30;
	vm1 =	vlt.f32 v52, v4;
	v56 =	vld.idx.msk [tilespmem:v60+s5+$0x0], $0xffff  }
0x9a: {  	v61 =	vadd.s32 $0x200, v38;
	v49 =	vsel vm1, v17, v30;
	vm1 =	vlt.f32 v54, v14;
	v31 =	vld.idx.msk [tilespmem:v31+s17+$0x0], $0xffff  }
0x9b: {  	v20 =	vadd.s32 $0x400, v34;
	v62 =	vsel vm1, v61, v38;
	v17 =	vld.idx.msk [tilespmem:v58+s5+$0x0], $0xffff;
	vm0 =	vlt.f32 v29, v9  }
0x9c: {  	v22 =	vor.u32 s6, v22;
	v27 =	vld.idx.msk [tilespmem:v27+s5+$0x0], $0xffff;
	v34 =	vsel vm0, v20, v34  }
0x9d: {  	[tilespmem:s4+$0x10600] =	vst v42;
	v42 =	vor.u32 $0x1000, v22;
	v52 =	vor.u32 $0x1000, v28;
	v60 =	vld.idx.msk [tilespmem:v26+s5+$0x0], $0xffff;
	v18 =	vmul.f32 v23, v18  }
0x9e: {  	v30 =	vadd.s32 $0x200, v41;
	v15 =	vmul.f32 v46, v15;
	v59 =	vadd.s32 $0x400, v35;
	v63 =	vld.idx.msk [tilespmem:v41+s5+$0x0], $0xffff  }
0x9f: {  	v44 =	vadd.s32 $0x200, v49;
	v57 =	vld.idx.msk [tilespmem:v48+s5+$0x0], $0xffff;
	v31 =	vadd.f32 v18, v31;
	v18 =	vor.u32 $0xE00, v28  }
0xa0: {  	v47 =	vadd.s32 $0x200, v48;
	v26 =	vor.u32 $0x1000, v21;
	v20 =	vadd.s32 $0x400, v37;
	v51 =	vld.idx.msk [tilespmem:v62+s16+$0x0], $0xffff  }
0xa1: {  	vm1 =	vlt.f32 v17, v8;
	vm0 =	vlt.f32 v27, v5;
	v27 =	vor.u32 $0xE00, v22;
	v50 =	vld.idx.msk [tilespmem:v34+s5+$0x0], $0xffff  }
0xa2: {  	[tilespmem:s4+$0x14600] =	vst v19;
	v29 =	vor.u32 $0x800, v32;
	v58 =	vld.idx.msk [tilespmem:v49+s5+$0x0], $0xffff;
	v20 =	vsel vm1, v20, v37;
	vm1 =	vlt.f32 v25, v7  }
0xa3: {  	[tilespmem:s3+$0x10600] =	vst v16;
	v16 =	vadd.s32 $0x200, v34;
	v17 =	vld.idx.msk [tilespmem:v62+s17+$0x0], $0xffff;
	v25 =	vsel vm1, v29, v32;
	v19 =	vsel vm0, v59, v35  }
0xa4: {  	vm1 =	vlt.f32 v56, v11;
	vm0 =	vlt.f32 v63, v3;
	v53 =	vadd.s32 $0x200, v25;
	v61 =	vld.idx.msk [tilespmem:v18+s5+$0x0], $0xffff  }
0xa5: {  	v29 =	vor.u32 $0x1000, v24;
	v38 =	vsel vm1, v26, v21;
	v21 =	vsel vm0, v30, v41;
	v18 =	vld.idx.msk [tilespmem:v39+s17+$0x0], $0xffff  }
0xa6: {  	v14 =	vmul.f32 v51, v14;
	v63 =	vor.u32 $0x600, v38;
	v62 =	vld.idx.msk [tilespmem:v27+s5+$0x0], $0xffff;
	vm0 =	vlt.f32 v50, v9  }
0xa7: {  	[tilespmem:s7+$0x10600] =	vst v31;
	v33 =	vadd.s32 $0x400, v25;
	v30 =	vld.idx.msk [tilespmem:v20+s5+$0x0], $0xffff;
	v31 =	vsel vm0, v16, v34;
	vm0 =	vlt.f32 v57, v6  }
0xa8: {  	[tilespmem:s7+$0x14600] =	vst v23;
	v23 =	vadd.s32 $0x200, v19;
	vm1 =	vlt.f32 v58, v4;
	v32 =	vld.idx.msk [tilespmem:v19+s5+$0x0], $0xffff;
	v34 =	vsel vm0, v47, v48  }
0xa9: {  	[tilespmem:s3+$0x14600] =	vst v45;
	v26 =	vadd.s32 $0x200, v21;
	v43 =	vld.idx.msk [tilespmem:v53+s5+$0x0], $0xffff;
	v16 =	vsel vm1, v44, v49;
	vm0 =	vlt.f32 v60, v10  }
0xaa: {  	[tilespmem:s11+$0x14600] =	vst v51;
	v27 =	vadd.s32 $0x200, v20;
	v39 =	vld.idx.msk [tilespmem:v21+s5+$0x0], $0xffff;
	v40 =	vsel vm0, v29, v24;
	vm0 =	vlt.f32 v61, v12  }
0xab: {  	s4 =	simm.s32 $0x100;
	s3 =	simm.s32 $0xC;
	[tilespmem:s10+$0x14600] =	vst v46;
	v36 =	vld.idx.msk [tilespmem:v63+s5+$0x0], $0xffff;
	v35 =	vor.u32 $0x600, v40;
	v41 =	vsel vm0, v52, v28;
	vm0 =	vlt.f32 v62, v13  }
.LBB2_3:
0xac: {  	s7 =	sand.u32 $0x1C0, s4;
	s25 =	sand.u32 $0x40, s4;
	v37 =	vor.u32 $0x600, v41;
	v44 =	vor.u32 $0x800, v41;
	v28 =	vsel vm0, v42, v22;
	v22 =	vld.idx.msk [tilespmem:v31+s5+$0x0], $0xffff  }
0xad: {  	s3 =	sadd.s32 $0x4, s3;
	v42 =	vor.u32 s7, v1;
	s8 =	sor.u32 $0x10, s7;
	s22 =	sor.u32 $0x30, s7;
	v45 =	vor.u32 $0x600, v28;
	v29 =	vor.u32 $0x800, v28;
	v46 =	vld.idx.msk [tilespmem:v34+s16+$0x0], $0xffff  }
0xae: {  	v49 =	vor.u32 $0x800, v40;
	s6 =	sor.u32 $0x20, s7;
	p1 =	slt.u32 s3, $0x1FC;
	s26 =	sand.u32 $0x50, s8;
	v47 =	vor.u32 s8, v1;
	v48 =	vor.u32 s22, v1;
	v24 =	vld.idx.msk [tilespmem:v16+s16+$0x0], $0xffff  }
0xaf: {  	s29 =	sadd.s32 $0x200, s29;
	vm0 =	vlt.f32 v30, v8;
	vm1 =	vlt.f32 v43, v7;
	s18 =	sand.u32 $0x60, s6;
	v50 =	vor.u32 s6, v1;
	v43 =	vld.idx.msk [tilespmem:v34+s17+$0x0], $0xffff  }
0xb0: {  	s19 =	sand.u32 $0x1000, s4;
	s1 =	sadd.s32 $0x10, s1;
	s2 =	sand.u32 $0xC00, s29;
	v30 =	vsel vm1, v33, v25;
	vm2 =	vlt.f32 v36, v11;
	v34 =	vor.u32 $0x800, v38;
	v51 =	vld.idx.msk [tilespmem:v35+s5+$0x0], $0xffff  }
0xb1: {  	s2 =	sor.u32 s2, s19;
	s19 =	sand.u32 $0x380, s1;
	vm1 =	vlt.f32 v32, v5;
	v32 =	vadd.s32 $0x200, v30;
	v33 =	vsel vm2, v34, v38;
	v25 =	vld.idx.msk [tilespmem:v37+s5+$0x0], $0xffff  }
0xb2: {  	s2 =	sor.u32 s19, s2;
	s19 =	sand.u32 $0x70, s22;
	vm2 =	vlt.f32 v22, v9;
	v22 =	vadd.s32 $0x200, v31;
	v38 =	vld.idx.msk [tilespmem:v42+s5+$0x0], $0xffff;
	v42 =	vadd.s32 $0x200, v33  }
0xb3: {  	s9 =	sor.u32 s25, s2;
	s26 =	sor.u32 s26, s2;
	s25 =	sor.u32 s19, s2;
	v34 =	vsel vm1, v23, v19;
	v35 =	vsel vm0, v27, v20;
	v19 =	vsel vm2, v22, v31;
	v48 =	vld.idx.msk [tilespmem:v48+s5+$0x0], $0xffff  }
0xb4: {  	s2 =	sor.u32 s18, s2;
	vm0 =	vlt.f32 v39, v3;
	v36 =	vadd.s32 $0x200, v34;
	v37 =	vadd.s32 $0x200, v35;
	v20 =	vld [tilespmem:s25+$0xC600];
	[tilespmem:s30+$0x14600] =	vst v46  }
0xb5: {  	v21 =	vsel vm0, v26, v21;
	v6 =	vmul.f32 v46, v6;
	v4 =	vmul.f32 v24, v4;
	v22 =	vld.idx.msk [tilespmem:v47+s5+$0x0], $0xffff  }
0xb6: {  	v18 =	vadd.f32 v15, v18;
	v14 =	vadd.f32 v14, v17;
	vm0 =	vlt.f32 v51, v10;
	v23 =	vld.idx.msk [tilespmem:v50+s5+$0x0], $0xffff  }
0xb7: {  	v17 =	vsel vm0, v49, v40;
	vm0 =	vlt.f32 v25, v12;
	v25 =	vld.idx.msk [tilespmem:v42+s5+$0x0], $0xffff;
	v42 =	vadd.f32 v6, v43  }
0xb8: {  	v15 =	vmovc v4;
	v26 =	vadd.s32 $0x200, v17;
	v27 =	vadd.s32 $0x400, v17;
	v31 =	vsel vm0, v44, v41;
	v39 =	vld.idx.msk [tilespmem:v19+s16+$0x0], $0xffff;
	[tilespmem:s11+$0x10600] =	vst v14;
	s11 =	smov.u32 s14;
	s14 =	smov.u32 s31;
	s31 =	smov.u32 s28  }
0xb9: {  	v4 =	vmovc v5;
	v5 =	vmovc v10;
	v14 =	vadd.s32 $0x200, v31;
	v40 =	vadd.s32 $0x400, v31;
	vm0 =	vlt.f32 v48, v20;
	[tilespmem:s30+$0x10600] =	vst v42;
	v10 =	vld [tilespmem:s9+$0xC600];
	s30 =	smov.u32 s20;
	s20 =	smov.u32 s24;
	s24 =	smov.u32 s26  }
0xba: {  	v6 =	vmov v8;
	v8 =	vmov v12;
	v41 =	vsel vm0, v2, v0;
	v19 =	vld.idx.msk [tilespmem:v19+s17+$0x0], $0xffff;
	[tilespmem:s10+$0x10600] =	vst v18;
	s10 =	smov.u32 s12;
	s12 =	smov.u32 s15;
	s15 =	smov.u32 s21  }
0xbb: {  	s28 =	smov.u32 s2;
	s21 =	smov.u32 s9;
	v12 =	vld [tilespmem:s24+$0xC600];
	v18 =	vor.u32 s22, v41  }
0xbc: {  	v41 =	vld [tilespmem:s28+$0xC600];
	v42 =	vor.u32 $0xE00, v18  }
0xbd: {  	v43 =	vld.idx.msk [tilespmem:v45+s5+$0x0], $0xffff  }
0xbe: {  	vm0 =	vlt.f32 v25, v11;
	v25 =	vadd.s32 $0x400, v33;
	v44 =	vmul.f32 v39, v9;
	v14 =	vld.idx.msk [tilespmem:v14+s5+$0x0], $0xffff;
	[tilespmem:s13+$0x14600] =	vst v39  }
0xbf: {  	v9 =	vmovc v11;
	v11 =	vmov v20;
	vm1 =	vlt.f32 v38, v10;
	v39 =	vsel vm0, v25, v33;
	v26 =	vld.idx.msk [tilespmem:v26+s5+$0x0], $0xffff  }
0xc0: {  	v20 =	vsel vm1, v2, v0;
	v19 =	vadd.f32 v44, v19;
	vm0 =	vlt.f32 v22, v12;
	v45 =	vld.idx.msk [tilespmem:v30+s5+$0x0], $0xffff  }
0xc1: {  	v44 =	vor.u32 s7, v20;
	v20 =	vsel vm0, v2, v0;
	vm0 =	vlt.f32 v23, v41;
	v23 =	vld.idx.msk [tilespmem:v42+s5+$0x0], $0xffff  }
0xc2: {  	v33 =	vor.u32 $0xE00, v44;
	v46 =	vor.u32 s8, v20;
	v20 =	vsel vm0, v2, v0;
	v47 =	vld.idx.msk [tilespmem:v35+s5+$0x0], $0xffff;
	[tilespmem:s13+$0x10600] =	vst v19;
	s13 =	smov.u32 s23;
	s23 =	smov.u32 s25  }
0xc3: {  	v38 =	vor.u32 $0xE00, v46;
	v48 =	vor.u32 $0x1000, v46;
	v22 =	vor.u32 s6, v20;
	v49 =	vld.idx.msk [tilespmem:v34+s5+$0x0], $0xffff  }
0xc4: {  	v50 =	vor.u32 $0x1000, v44;
	v51 =	vor.u32 $0xE00, v22;
	v42 =	vor.u32 $0x1000, v22;
	v52 =	vld.idx.msk [tilespmem:v39+s5+$0x0], $0xffff  }
0xc5: {  	vm2 =	vlt.f32 v43, v13;
	vm1 =	vlt.f32 v14, v8;
	vm0 =	vlt.f32 v26, v5;
	v14 =	vld.idx.msk [tilespmem:v21+s16+$0x0], $0xffff  }
0xc6: {  	v25 =	vsel vm2, v29, v28;
	v20 =	vsel vm1, v40, v31;
	v19 =	vsel vm0, v27, v17;
	v17 =	vld.idx.msk [tilespmem:v21+s17+$0x0], $0xffff  }
0xc7: {  	v26 =	vadd.s32 $0x200, v25;
	vm0 =	vlt.f32 v23, v11;
	v21 =	vor.u32 $0x1000, v18;
	v28 =	vld.idx.msk [tilespmem:v33+s5+$0x0], $0xffff  }
0xc8: {  	v33 =	vadd.s32 $0x400, v25;
	v29 =	vld.idx.msk [tilespmem:v38+s5+$0x0], $0xffff;
	v38 =	vsel vm0, v21, v18;
	vm0 =	vlt.f32 v45, v7  }
0xc9: {  	v27 =	vadd.s32 $0x200, v20;
	v23 =	vadd.s32 $0x200, v19;
	v45 =	vld.idx.msk [tilespmem:v51+s5+$0x0], $0xffff;
	v51 =	vor.u32 $0x600, v38  }
0xca: {  	v31 =	vadd.s32 $0x200, v39;
	vm1 =	vlt.f32 v52, v9;
	v21 =	vsel vm0, v32, v30;
	v18 =	vld.idx.msk [tilespmem:v16+s17+$0x0], $0xffff;
	[tilespmem:s10+$0x14600] =	vst v24  }
.Ltmp0:
0xcb: {  	vm0 =	vlt.f32 v49, v4;
	v31 =	vsel vm1, v31, v39;
	vm1 =	vlt.f32 v47, v6;
	v30 =	vld.idx.msk [tilespmem:v20+s5+$0x0], $0xffff;
	(pc) =	sbr.rel @p1 .LBB2_3-.Ltmp0, $4  }
0xcc: {  	v16 =	vsel vm0, v36, v34;
	v34 =	vsel vm1, v37, v35;
	v43 =	vld.idx.msk [tilespmem:v26+s5+$0x0], $0xffff;
	v26 =	vadd.s32 $0x200, v21;
	[tilespmem:s11+$0x14600] =	vst v14  }
0xcd: {  	vm0 =	vlt.f32 v28, v10;
	v14 =	vmul.f32 v14, v3;
	v3 =	vmovc v7;
	v7 =	vmov v13;
	v32 =	vld.idx.msk [tilespmem:v19+s5+$0x0], $0xffff  }
0xce: {  	v13 =	vmov v41;
	v40 =	vsel vm0, v50, v44;
	vm0 =	vlt.f32 v29, v12;
	v36 =	vld.idx.msk [tilespmem:v51+s5+$0x0], $0xffff  }
0xcf: {  	s4 =	sadd.s32 $0x40, s4;
	v35 =	vor.u32 $0x600, v40;
	v41 =	vsel vm0, v48, v46;
	vm0 =	vlt.f32 v45, v13;
	v39 =	vld.idx.msk [tilespmem:v21+s5+$0x0], $0xffff  }
0xd0: {  	v24 =	vor.u32 $0x600, v41  }
0xd1: {  	v22 =	vsel vm0, v42, v22  }
0xd2: {  	v28 =	vor.u32 $0x600, v22;
	_ =	sdelay $0x1  }
0xd3: {  	v29 =	vor.u32 $0x800, v38;
	vm4 =	vlt.f32 v36, v11  }
0xd4: {  	v29 =	vsel vm4, v29, v38;
	v24 =	vld.idx.msk [tilespmem:v24+s5+$0x0], $0xffff  }
0xd5: {  	v35 =	vld.idx.msk [tilespmem:v35+s5+$0x0], $0xffff;
	v52 =	vadd.s32 $0x200, v29  }
0xd6: {  	v28 =	vld.idx.msk [tilespmem:v28+s5+$0x0], $0xffff;
	_ =	sdelay $0x2  }
0xd7: {  	v37 =	vor.u32 $0x800, v41;
	vm5 =	vlt.f32 v24, v12  }
0xd8: {  	v54 =	vor.u32 $0x800, v40;
	vm1 =	vlt.f32 v35, v10;
	v36 =	vld.idx.msk [tilespmem:v52+s5+$0x0], $0xffff;
	v24 =	vsel vm5, v37, v41  }
0xd9: {  	vm6 =	vlt.f32 v28, v13;
	v28 =	vsel vm1, v54, v40;
	v37 =	vadd.s32 $0x200, v24  }
0xda: {  	v53 =	vor.u32 $0x800, v22;
	v56 =	vadd.s32 $0x200, v28  }
0xdb: {  	v22 =	vsel vm6, v53, v22  }
0xdc: {  	v55 =	vadd.s32 $0x200, v22  }
0xdd: {  	v58 =	vld.idx.msk [tilespmem:v31+s5+$0x0], $0xffff;
	v57 =	vadd.s32 $0x400, v29;
	vm7 =	vlt.f32 v36, v11  }
0xde: {  	vm11 =	vlt.f32 v30, v8;
	v29 =	vsel vm7, v57, v29;
	v37 =	vld.idx.msk [tilespmem:v37+s5+$0x0], $0xffff  }
0xdf: {  	vm8 =	vlt.f32 v43, v7;
	v20 =	vsel vm11, v27, v20;
	v60 =	vld.idx.msk [tilespmem:v56+s5+$0x0], $0xffff  }
0xe0: {  	v63 =	vld.idx.msk [tilespmem:v34+s16+$0x0], $0xffff;
	v25 =	vsel vm8, v33, v25;
	vm4 =	vlt.f32 v39, v3  }
0xe1: {  	v21 =	vsel vm4, v26, v21;
	v35 =	vld.idx.msk [tilespmem:v55+s5+$0x0], $0xffff  }
0xe2: {  	v33 =	vld.idx.msk [tilespmem:v16+s17+$0x0], $0xffff  }
0xe3: {  	vm15 =	vlt.f32 v32, v5;
	v59 =	vadd.s32 $0x400, v24;
	v62 =	vld.idx.msk [tilespmem:v29+s5+$0x0], $0xffff;
	vm9 =	vlt.f32 v37, v12  }
0xe4: {  	v48 =	vld.idx.msk [tilespmem:v20+s5+$0x0], $0xffff;
	v43 =	vadd.s32 $0x400, v28;
	vm13 =	vlt.f32 v60, v10;
	v24 =	vsel vm9, v59, v24  }
0xe5: {  	v61 =	vadd.s32 $0x200, v31;
	v19 =	vsel vm15, v23, v19;
	v44 =	vld.idx.msk [tilespmem:v25+s5+$0x0], $0xffff;
	v28 =	vsel vm13, v43, v28  }
0xe6: {  	vm10 =	vlt.f32 v58, v9;
	v58 =	vld.idx.msk [tilespmem:v21+s17+$0x0], $0xffff;
	v42 =	vadd.s32 $0x400, v22;
	vm12 =	vlt.f32 v35, v13  }
0xe7: {  	v40 =	vsel vm10, v61, v31;
	v31 =	vld.idx.msk [tilespmem:v16+s16+$0x0], $0xffff;
	v22 =	vsel vm12, v42, v22  }
0xe8: {  	v41 =	vld.idx.msk [tilespmem:v34+s17+$0x0], $0xffff;
	v45 =	vadd.s32 $0x200, v29;
	vm14 =	vlt.f32 v62, v11  }
0xe9: {  	v29 =	vsel vm14, v45, v29;
	v46 =	vld.idx.msk [tilespmem:v24+s5+$0x0], $0xffff  }
0xea: {  	v53 =	vld.idx.msk [tilespmem:v28+s5+$0x0], $0xffff  }
0xeb: {  	v50 =	vadd.s32 $0x200, v25;
	vm5 =	vlt.f32 v44, v7;
	v56 =	vld.idx.msk [tilespmem:v19+s5+$0x0], $0xffff  }
0xec: {  	v25 =	vsel vm5, v50, v25;
	vm7 =	vlt.f32 v48, v8;
	v55 =	vadd.s32 $0x200, v20;
	v51 =	vld.idx.msk [tilespmem:v22+s5+$0x0], $0xffff  }
0xed: {  	v14 =	vadd.f32 v14, v17;
	v47 =	vld.idx.msk [tilespmem:v40+s16+$0x0], $0xffff;
	v20 =	vsel vm7, v55, v20  }
0xee: {  	v15 =	vadd.f32 v15, v18;
	v52 =	vadd.s32 $0x200, v24;
	v54 =	vld.idx.msk [tilespmem:v29+s5+$0x0], $0xffff;
	vm6 =	vlt.f32 v46, v12  }
0xef: {  	v49 =	vld.idx.msk [tilespmem:v40+s17+$0x0], $0xffff;
	v60 =	vadd.s32 $0x200, v28;
	vm9 =	vlt.f32 v53, v10;
	v24 =	vsel vm6, v52, v24  }
0xf0: {  	v57 =	vld.idx.msk [tilespmem:v21+s16+$0x0], $0xffff;
	vm11 =	vlt.f32 v56, v5;
	v35 =	vadd.s32 $0x200, v19;
	v28 =	vsel vm9, v60, v28  }
0xf1: {  	v61 =	vld.idx.msk [tilespmem:v25+s5+$0x0], $0xffff;
	v40 =	vsel vm11, v35, v19;
	v59 =	vadd.s32 $0x200, v22;
	vm8 =	vlt.f32 v51, v13  }
0xf2: {  	[tilespmem:s11+$0x10600] =	vst v14;
	v6 =	vmul.f32 v63, v6;
	v34 =	vld.idx.msk [tilespmem:v20+s16+$0x0], $0xffff;
	v21 =	vsel vm8, v59, v22  }
0xf3: {  	[tilespmem:s10+$0x10600] =	vst v15;
	v4 =	vmul.f32 v31, v4;
	v39 =	vld.idx.msk [tilespmem:v20+s17+$0x0], $0xffff;
	v62 =	vadd.s32 $0x200, v29;
	vm10 =	vlt.f32 v54, v11  }
0xf4: {  	[tilespmem:s30+$0x14600] =	vst v63;
	v27 =	vmul.f32 v47, v9;
	v22 =	vsel vm10, v62, v29;
	v63 =	vld.idx.msk [tilespmem:v24+s5+$0x0], $0xffff  }
0xf5: {  	v6 =	vadd.f32 v6, v41;
	v41 =	vadd.s32 $0x200, v25;
	[tilespmem:s12+$0x14600] =	vst v31;
	v4 =	vadd.f32 v4, v33;
	v44 =	vld.idx.msk [tilespmem:v28+s5+$0x0], $0xffff  }
0xf6: {  	v3 =	vmul.f32 v57, v3;
	v38 =	vadd.f32 v27, v49;
	vm12 =	vlt.f32 v61, v7;
	v49 =	vld.idx.msk [tilespmem:v40+s16+$0x0], $0xffff  }
0xf7: {  	[tilespmem:s30+$0x10600] =	vst v6;
	v18 =	vsel vm12, v41, v25;
	v42 =	vld.idx.msk [tilespmem:v21+s5+$0x0], $0xffff  }
0xf8: {  	[tilespmem:s12+$0x10600] =	vst v4;
	v3 =	vadd.f32 v3, v58;
	v56 =	vld.idx.msk [tilespmem:v40+s17+$0x0], $0xffff  }
0xf9: {  	[tilespmem:s13+$0x14600] =	vst v47;
	v47 =	vmul.f32 v34, v8;
	v43 =	vadd.s32 $0x200, v24;
	v45 =	vld.idx.msk [tilespmem:v22+s16+$0x0], $0xffff;
	vm13 =	vlt.f32 v63, v12  }
0xfa: {  	[tilespmem:s14+$0x14600] =	vst v57;
	v46 =	vadd.s32 $0x200, v28;
	vm15 =	vlt.f32 v44, v10;
	v20 =	vsel vm13, v43, v24  }
0xfb: {  	[tilespmem:s13+$0x10600] =	vst v38;
	v8 =	vadd.f32 v47, v39;
	v48 =	vld.idx.msk [tilespmem:v22+s17+$0x0], $0xffff;
	v52 =	vsel vm15, v46, v28  }
0xfc: {  	[tilespmem:s14+$0x10600] =	vst v3;
	v51 =	vld.idx.msk [tilespmem:v18+s16+$0x0], $0xffff;
	v60 =	vmul.f32 v49, v5;
	v50 =	vadd.s32 $0x200, v21;
	vm14 =	vlt.f32 v42, v13  }
0xfd: {  	[tilespmem:s20+$0x14600] =	vst v34;
	v14 =	vsel vm14, v50, v21  }
0xfe: {  	[tilespmem:s20+$0x10600] =	vst v8;
	v5 =	vadd.f32 v60, v56;
	v54 =	vld.idx.msk [tilespmem:v18+s17+$0x0], $0xffff;
	v3 =	vmul.f32 v45, v11  }
0xff: {  	[tilespmem:s15+$0x14600] =	vst v49;
	v53 =	vld.idx.msk [tilespmem:v20+s16+$0x0], $0xffff  }
0x100: {  	[tilespmem:s15+$0x10600] =	vst v5;
	v3 =	vadd.f32 v3, v48;
	v58 =	vld.idx.msk [tilespmem:v52+s16+$0x0], $0xffff  }
0x101: {  	[tilespmem:s31+$0x14600] =	vst v51;
	v55 =	vld.idx.msk [tilespmem:v20+s17+$0x0], $0xffff  }
0x102: {  	v57 =	vld.idx.msk [tilespmem:v14+s16+$0x0], $0xffff;
	[tilespmem:s23+$0x10600] =	vst v3;
	v3 =	vmul.f32 v51, v7  }
0x103: {  	[tilespmem:s23+$0x14600] =	vst v45  }
0x104: {  	v61 =	vld.idx.msk [tilespmem:v14+s17+$0x0], $0xffff;
	v3 =	vadd.f32 v3, v54;
	v59 =	vmul.f32 v53, v12;
	[tilespmem:s24+$0x14600] =	vst v53  }
0x105: {  	v62 =	vld.idx.msk [tilespmem:v52+s17+$0x0], $0xffff;
	[tilespmem:s21+$0x14600] =	vst v58  }
0x106: {  	[tilespmem:s31+$0x10600] =	vst v3;
	v4 =	vadd.f32 v59, v55  }
0x107: {  	v3 =	vmul.f32 v57, v13;
	[tilespmem:s28+$0x14600] =	vst v57  }
0x108: {  	s26 =	rddreg [dreg:$0x2];
	v63 =	vmul.f32 v58, v10;
	[tilespmem:s24+$0x10600] =	vst v4  }
0x109: {  	s1 =	sshll.u32 s0, $0x10;
	v3 =	vadd.f32 v3, v61;
	s2 =	rddreg [dreg:$0x6]  }
0x10a: {  	s3 =	simm.s32 $0x1000;
	p1 =	sne.s32 s0, $0x3F;
	v4 =	vadd.f32 v63, v62;
	s1 =	sadd.s32 s2, s1  }
.Ltmp1:
0x10b: {  	s4 =	simm.s32 $0x4000;
	[tilespmem:s28+$0x10600] =	vst v3;
	s1 =	sshrl.u32 s1, $0x3;
	(pc) =	sbr.rel @p1 .LBB2_6-.Ltmp1, $4  }
0x10c: {  	s6 =	simm.s32 $0x10600;
	s30 =	rddreg [dreg:$0x3];
	[tilespmem:s21+$0x10600] =	vst v4;
	s29 =	sadd.s32 s26, s1  }
0x10d: {  	[hbm4b:s29+s3] =	stream.strided.scatter [tilespmem:s6], [sflag:$0x3], $0x2000, s4, s3, $0x38;
	[tilespmem:$0x18600] =	vst v63  }
0x10e: {  	s31 =	simm.s32 $0x14600;
	s1 =	sadd.s32 s30, s1  }
0x10f: {  	[hbm4b:s1+s3] =	stream.strided.scatter [tilespmem:s31], [sflag:$0x3], $0x2000, s4, s3, $0x38;
	[tilespmem:$0x18600] =	vst v63  }
.Ltmp2:
0x110: {  	(pc) =	sbr.rel .LBB2_7-.Ltmp2, $4  }
0x111: {  	s1 =	simm.s32 $0x2  }
0x112: {  	_ =	swait.ge [sflag:s1], $0x2000  }
0x113: {  	[sflag:s1] =	ssyncset.done $0x0  }
0x114: {  	[sflag:s1] =	ssyncadd.s32 $0xFFFFE000  }
.LBB2_6:
0x115: {  	s1 =	rddreg [dreg:$0xc]  }
0x116: {  	s2 =	rddreg [dreg:$0x10]  }
0x117: {  	s1 =	sadd.s32 s2, s1  }
0x118: {  	s28 =	rddreg [dreg:$0x5];
	s1 =	sshll.u32 s1, $0xB  }
0x119: {  	s1 =	sor.u32 s28, s1  }
0x11a: {  	s29 =	rddreg [dreg:$0x0];
	s30 =	simm.s32 $0xC600;
	s1 =	sshrl.u32 s1, $0x3  }
.Ltmp3:
0x11b: {  	s31 =	simm.s32 $0x2;
	s1 =	sadd.s32 s29, s1;
	(pc) =	sbr.rel @p0 .LBB2_8-.Ltmp3, $4  }
0x11c: {  	[tilespmem:s30], [sflag:$0x1] =	stream.strided.gather [hbm4b:s1+s3], $0x2000, s4, s3, $0x38;
	[tilespmem:$0x18600] =	vst v63  }
0x11d: {  	_ =	swait.ge [sflag:s31], $0x2000  }
0x11e: {  	[sflag:s31] =	ssyncset.done $0x0  }
0x11f: {  	[sflag:s31] =	ssyncadd.s32 $0xFFFFE000  }
.LBB2_7:
0x120: {  	s1 =	simm.s32 $0x4  }
0x121: {  	_ =	swait.ge [sflag:s1], $0x2000  }
0x122: {  	[sflag:s1] =	ssyncset.done $0x0  }
0x123: {  	[sflag:s1] =	ssyncadd.s32 $0xFFFFE000  }
0x124: {  	_ =	swait.ge [sflag:s1], $0x2000  }
0x125: {  	[sflag:s1] =	ssyncset.done $0x0  }
0x126: {  	[sflag:s1] =	ssyncadd.s32 $0xFFFFE000  }
.LBB2_8:
0x127: {  	s2 =	simm.s32 $0x0  }
0x128: {  	s4 =	sand.u32 $0x1C0, s2  }
0x129: {  	s6 =	sor.u32 $0x30, s4  }
0x12a: {  	s1 =	sand.u32 $0x1000, s2;
	s3 =	sand.u32 $0xC00, s2;
	v3 =	vor.u32 s6, v1  }
0x12b: {  	s14 =	sand.u32 $0x380, s2;
	s1 =	sor.u32 s3, s1  }
0x12c: {  	s8 =	sor.u32 s14, s1;
	s15 =	sand.u32 $0x70, s6  }
0x12d: {  	s7 =	sor.u32 $0x10, s4;
	s3 =	sor.u32 s15, s8  }
0x12e: {  	v4 =	vor.u32 s7, v1;
	v17 =	vld [tilespmem:s3+$0xE600]  }
0x12f: {  	v3 =	vld.idx.msk [tilespmem:v3+s5+$0x0], $0xffff  }
0x130: {  	s18 =	sand.u32 $0x50, s7  }
0x131: {  	s1 =	sor.u32 s18, s8  }
0x132: {  	v5 =	vor.u32 s4, v1;
	v16 =	vld [tilespmem:s1+$0xE600]  }
0x133: {  	v4 =	vld.idx.msk [tilespmem:v4+s5+$0x0], $0xffff  }
0x134: {  	s2 =	sand.u32 $0x40, s2;
	vm0 =	vlt.f32 v3, v17  }
0x135: {  	s9 =	sor.u32 s2, s8;
	v3 =	vsel vm0, v2, v0  }
0x136: {  	v15 =	vld [tilespmem:s9+$0xE600];
	v3 =	vor.u32 s6, v3  }
0x137: {  	v5 =	vld.idx.msk [tilespmem:v5+s5+$0x0], $0xffff;
	v6 =	vor.u32 $0xE00, v3  }
0x138: {  	vm0 =	vlt.f32 v4, v16  }
0x139: {  	v4 =	vsel vm0, v2, v0  }
0x13a: {  	v4 =	vor.u32 s7, v4  }
0x13b: {  	v7 =	vor.u32 $0xE00, v4  }
0x13c: {  	s19 =	sor.u32 $0x20, s4;
	vm0 =	vlt.f32 v5, v15;
	v5 =	vld.idx.msk [tilespmem:v6+s5+$0x0], $0xffff  }
0x13d: {  	v8 =	vor.u32 s19, v1  }
0x13e: {  	v6 =	vsel vm0, v2, v0  }
0x13f: {  	s20 =	sand.u32 $0x60, s19;
	v6 =	vor.u32 s4, v6  }
0x140: {  	s10 =	sor.u32 s20, s8;
	v7 =	vld.idx.msk [tilespmem:v7+s5+$0x0], $0xffff;
	v9 =	vor.u32 $0xE00, v6  }
0x141: {  	v14 =	vld [tilespmem:s10+$0xE600];
	vm0 =	vlt.f32 v5, v17;
	v5 =	vor.u32 $0x1000, v3  }
0x142: {  	v8 =	vld.idx.msk [tilespmem:v8+s5+$0x0], $0xffff;
	v3 =	vsel vm0, v5, v3  }
0x143: {  	v5 =	vor.u32 $0x600, v3;
	_ =	sdelay $0x1  }
0x144: {  	s21 =	simm.s32 $0x40;
	v10 =	vor.u32 $0x1000, v4;
	vm0 =	vlt.f32 v7, v16;
	v9 =	vld.idx.msk [tilespmem:v9+s5+$0x0], $0xffff  }
0x145: {  	s24 =	simm.s32 $0x200;
	s11 =	simm.s32 $0x10;
	s22 =	sand.u32 $0x1C0, s21;
	v4 =	vsel vm0, v10, v4  }
0x146: {  	s25 =	sand.u32 $0x1000, s21;
	s23 =	sor.u32 $0x30, s22;
	s2 =	sand.u32 $0xC00, s24;
	vm0 =	vlt.f32 v8, v14;
	v7 =	vor.u32 $0x600, v4  }
0x147: {  	s12 =	sand.u32 $0x380, s11;
	s2 =	sor.u32 s2, s25;
	v10 =	vor.u32 s23, v1;
	v8 =	vsel vm0, v2, v0;
	v5 =	vld.idx.msk [tilespmem:v5+s5+$0x0], $0xffff  }
0x148: {  	v12 =	vor.u32 s22, v1;
	s14 =	sand.u32 $0x70, s23;
	s2 =	sor.u32 s12, s2;
	v8 =	vor.u32 s19, v8  }
0x149: {  	s13 =	sor.u32 $0x10, s22;
	s4 =	sor.u32 s14, s2;
	v11 =	vor.u32 $0x1000, v6;
	vm0 =	vlt.f32 v9, v15;
	v9 =	vor.u32 $0xE00, v8  }
0x14a: {  	v13 =	vor.u32 s13, v1;
	v18 =	vld [tilespmem:s4+$0xE600];
	v11 =	vsel vm0, v11, v6  }
0x14b: {  	s15 =	sor.u32 $0x20, s22;
	v7 =	vld.idx.msk [tilespmem:v7+s5+$0x0], $0xffff;
	v6 =	vor.u32 $0x600, v11  }
0x14c: {  	v19 =	vor.u32 s15, v1;
	v10 =	vld.idx.msk [tilespmem:v10+s5+$0x0], $0xffff;
	vm0 =	vlt.f32 v5, v17;
	v5 =	vor.u32 $0x800, v3  }
0x14d: {  	v12 =	vld.idx.msk [tilespmem:v12+s5+$0x0], $0xffff;
	v5 =	vsel vm0, v5, v3  }
0x14e: {  	v3 =	vld.idx.msk [tilespmem:v9+s5+$0x0], $0xffff;
	v9 =	vadd.s32 $0x200, v5  }
0x14f: {  	v13 =	vld.idx.msk [tilespmem:v13+s5+$0x0], $0xffff  }
0x150: {  	s7 =	sand.u32 $0x40, s21;
	vm0 =	vlt.f32 v7, v16;
	v20 =	vld.idx.msk [tilespmem:v6+s5+$0x0], $0xffff;
	v6 =	vor.u32 $0x800, v4  }
0x151: {  	v19 =	vld.idx.msk [tilespmem:v19+s5+$0x0], $0xffff;
	s11 =	sor.u32 s7, s2;
	vm1 =	vlt.f32 v10, v18;
	v10 =	vsel vm0, v6, v4  }
0x152: {  	s18 =	sand.u32 $0x60, s15;
	s12 =	sand.u32 $0x50, s13;
	v6 =	vsel vm1, v2, v0;
	v4 =	vld [tilespmem:s11+$0xE600];
	v21 =	vadd.s32 $0x200, v10  }
0x153: {  	s14 =	sor.u32 s12, s2;
	s12 =	sor.u32 s18, s2;
	v7 =	vor.u32 $0x1000, v8;
	v22 =	vor.u32 s23, v6;
	vm0 =	vlt.f32 v3, v14;
	v9 =	vld.idx.msk [tilespmem:v9+s5+$0x0], $0xffff  }
0x154: {  	v3 =	vld [tilespmem:s12+$0xE600];
	v7 =	vsel vm0, v7, v8;
	v8 =	vor.u32 $0xE00, v22  }
0x155: {  	v24 =	vor.u32 $0x800, v11;
	v6 =	vld [tilespmem:s14+$0xE600];
	vm0 =	vlt.f32 v20, v15;
	v23 =	vor.u32 $0x600, v7  }
0x156: {  	v11 =	vsel vm0, v24, v11  }
0x157: {  	v20 =	vadd.s32 $0x200, v11;
	v21 =	vld.idx.msk [tilespmem:v21+s5+$0x0], $0xffff  }
0x158: {  	vm0 =	vlt.f32 v9, v17;
	v9 =	vadd.s32 $0x400, v5  }
0x159: {  	vm1 =	vlt.f32 v19, v3;
	v8 =	vld.idx.msk [tilespmem:v8+s5+$0x0], $0xffff;
	v5 =	vsel vm0, v9, v5;
	vm0 =	vlt.f32 v12, v4  }
0x15a: {  	v9 =	vor.u32 $0x800, v7;
	v12 =	vld.idx.msk [tilespmem:v23+s5+$0x0], $0xffff;
	v23 =	vsel vm0, v2, v0;
	vm0 =	vlt.f32 v13, v6  }
0x15b: {  	s20 =	simm.s32 $0x400;
	v19 =	vor.u32 s22, v23;
	v13 =	vsel vm0, v2, v0;
	v23 =	vsel vm1, v2, v0  }
0x15c: {  	s6 =	sand.u32 $0xC00, s20;
	s19 =	simm.s32 $0x80;
	s23 =	simm.s32 $0x20;
	v20 =	vld.idx.msk [tilespmem:v20+s5+$0x0], $0xffff;
	vm0 =	vlt.f32 v21, v16;
	v24 =	vor.u32 $0xE00, v19;
	v25 =	vor.u32 s13, v13  }
0x15d: {  	s2 =	sand.u32 $0x40, s19;
	s24 =	sand.u32 $0x380, s23;
	s22 =	sand.u32 $0x1000, s19;
	v23 =	vor.u32 s15, v23;
	v13 =	vadd.s32 $0x400, v10;
	v26 =	vor.u32 $0xE00, v25  }
0x15e: {  	s13 =	sand.u32 $0x1C0, s19;
	s6 =	sor.u32 s6, s22;
	s19 =	simm.s32 $0xC0;
	v27 =	vor.u32 $0xE00, v23;
	vm1 =	vlt.f32 v8, v18;
	v8 =	vor.u32 $0x1000, v22;
	v28 =	vld.idx.msk [tilespmem:v5+s5+$0x0], $0xffff  }
0x15f: {  	s15 =	sor.u32 s24, s6;
	s6 =	sand.u32 $0x1C0, s19;
	s23 =	sand.u32 $0x1000, s19;
	vm2 =	vlt.f32 v12, v14;
	v12 =	vsel vm0, v13, v10;
	v8 =	vsel vm1, v8, v22  }
0x160: {  	s30 =	sor.u32 s2, s15;
	s2 =	sand.u32 $0x40, s19;
	s19 =	sor.u32 $0x10, s6;
	v10 =	vsel vm2, v9, v7;
	v7 =	vor.u32 $0x600, v8  }
0x161: {  	v9 =	vadd.s32 $0x400, v11;
	vm0 =	vlt.f32 v20, v15;
	v44 =	vor.u32 s19, v1;
	v20 =	vld.idx.msk [tilespmem:v24+s5+$0x0], $0xffff  }
0x162: {  	v13 =	vsel vm0, v9, v11;
	v9 =	vld.idx.msk [tilespmem:v26+s5+$0x0], $0xffff  }
0x163: {  	v11 =	vadd.s32 $0x200, v5;
	v22 =	vld.idx.msk [tilespmem:v27+s5+$0x0], $0xffff;
	vm0 =	vlt.f32 v28, v17  }
0x164: {  	v24 =	vld.idx.msk [tilespmem:v12+s5+$0x0], $0xffff;
	v11 =	vsel vm0, v11, v5  }
0x165: {  	s21 =	sor.u32 $0x30, s13;
	v5 =	vor.u32 s13, v1;
	v7 =	vld.idx.msk [tilespmem:v7+s5+$0x0], $0xffff  }
0x166: {  	s25 =	sand.u32 $0x70, s21;
	v26 =	vor.u32 s21, v1;
	v44 =	vld.idx.msk [tilespmem:v44+s5+$0x0], $0xffff  }
0x167: {  	s7 =	sor.u32 $0x10, s13;
	s20 =	sor.u32 s25, s15;
	v27 =	vld.idx.msk [tilespmem:v13+s5+$0x0], $0xffff  }
0x168: {  	v30 =	vor.u32 s7, v1;
	v28 =	vor.u32 $0x1000, v25;
	vm0 =	vlt.f32 v9, v6;
	v9 =	vld [tilespmem:s20+$0xE600]  }
0x169: {  	v25 =	vsel vm0, v28, v25;
	v29 =	vld.idx.msk [tilespmem:v11+s5+$0x0], $0xffff  }
0x16a: {  	s8 =	sor.u32 $0x20, s13;
	v21 =	vadd.s32 $0x200, v10;
	v28 =	vld.idx.msk [tilespmem:v5+s5+$0x0], $0xffff;
	v31 =	vor.u32 $0x600, v25  }
0x16b: {  	vm0 =	vlt.f32 v7, v18;
	v5 =	vor.u32 $0x800, v8;
	v7 =	vld.idx.msk [tilespmem:v26+s5+$0x0], $0xffff;
	v26 =	vor.u32 s8, v1  }
0x16c: {  	s18 =	sand.u32 $0x50, s7;
	v32 =	vsel vm0, v5, v8;
	v8 =	vor.u32 $0x1000, v19;
	vm0 =	vlt.f32 v20, v4;
	v5 =	vld [tilespmem:s30+$0xE600]  }
0x16d: {  	v34 =	vor.u32 $0x1000, v23;
	s31 =	sor.u32 s18, s15;
	vm1 =	vlt.f32 v22, v3;
	v33 =	vsel vm0, v8, v19;
	v19 =	vld.idx.msk [tilespmem:v30+s5+$0x0], $0xffff  }
0x16e: {  	v23 =	vsel vm1, v34, v23;
	v20 =	vadd.s32 $0x200, v32;
	v8 =	vld [tilespmem:s31+$0xE600]  }
0x16f: {  	v38 =	vadd.s32 $0x400, v10;
	v21 =	vld.idx.msk [tilespmem:v21+s5+$0x0], $0xffff;
	v34 =	vor.u32 $0x600, v23  }
0x170: {  	s18 =	sand.u32 $0x60, s8;
	v30 =	vor.u32 $0x600, v33;
	vm0 =	vlt.f32 v29, v17;
	v29 =	vadd.s32 $0x200, v11;
	v22 =	vld.idx.msk [tilespmem:v31+s5+$0x0], $0xffff  }
0x171: {  	s15 =	sor.u32 s18, s15;
	v39 =	vadd.s32 $0x200, v13;
	v41 =	vor.u32 $0x800, v23;
	v26 =	vld.idx.msk [tilespmem:v26+s5+$0x0], $0xffff;
	v11 =	vsel vm0, v29, v11  }
0x172: {  	s22 =	sor.u32 $0x30, s6;
	vm2 =	vlt.f32 v27, v15;
	vm0 =	vlt.f32 v7, v9;
	vm1 =	vlt.f32 v28, v5;
	v7 =	vld [tilespmem:s15+$0xE600]  }
0x173: {  	v28 =	vor.u32 s22, v1;
	v31 =	vld.idx.msk [tilespmem:v20+s5+$0x0], $0xffff;
	v20 =	vsel vm0, v2, v0;
	vm0 =	vlt.f32 v19, v8  }
0x174: {  	s28 =	simm.s32 $0x600;
	v34 =	vld.idx.msk [tilespmem:v34+s5+$0x0], $0xffff;
	v35 =	vsel vm1, v2, v0;
	v36 =	vor.u32 s21, v20;
	v20 =	vsel vm0, v2, v0  }
0x175: {  	s29 =	simm.s32 $0x30;
	s24 =	sand.u32 $0xC00, s28;
	v29 =	vor.u32 $0x800, v25;
	v30 =	vld.idx.msk [tilespmem:v30+s5+$0x0], $0xffff;
	v35 =	vor.u32 s13, v35;
	v37 =	vor.u32 s7, v20  }
0x176: {  	s25 =	sand.u32 $0x380, s29;
	s13 =	sor.u32 s24, s23;
	vm1 =	vlt.f32 v22, v6;
	v22 =	vor.u32 $0xE00, v36;
	v42 =	vor.u32 $0xE00, v37;
	v19 =	vld.idx.msk [tilespmem:v11+s16+$0x0], $0xffff  }
0x177: {  	s18 =	sand.u32 $0x70, s22;
	s7 =	sor.u32 s25, s13;
	v29 =	vsel vm1, v29, v25;
	v20 =	vld.idx.msk [tilespmem:v11+s17+$0x0], $0xffff;
	v25 =	vor.u32 s6, v1;
	vm1 =	vlt.f32 v26, v7  }
0x178: {  	s24 =	sand.u32 $0x50, s19;
	s21 =	sor.u32 s18, s7;
	v28 =	vld.idx.msk [tilespmem:v28+s5+$0x0], $0xffff;
	v26 =	vadd.s32 $0x200, v12;
	v40 =	vadd.s32 $0x200, v29;
	vm0 =	vlt.f32 v31, v18  }
0x179: {  	s23 =	sor.u32 s24, s7;
	v11 =	vld [tilespmem:s21+$0xE600];
	v31 =	vadd.s32 $0x400, v32;
	v61 =	vsel vm1, v2, v0;
	vm1 =	vlt.f32 v24, v16  }
0x17a: {  	s13 =	sor.u32 s2, s7;
	v31 =	vsel vm0, v31, v32;
	vm0 =	vlt.f32 v21, v14;
	v26 =	vsel vm1, v26, v12;
	v12 =	vld [tilespmem:s23+$0xE600]  }
0x17b: {  	v39 =	vsel vm2, v39, v13;
	v43 =	vor.u32 $0x800, v33;
	v24 =	vsel vm0, v38, v10;
	v10 =	vld [tilespmem:s13+$0xE600]  }
0x17c: {  	v58 =	vadd.s32 $0x200, v39;
	v63 =	vor.u32 $0xE00, v35;
	v51 =	vor.u32 $0x1000, v35;
	s25 =	sor.u32 $0x20, s6;
	v22 =	vld.idx.msk [tilespmem:v22+s5+$0x0], $0xffff  }
0x17d: {  	v50 =	vor.u32 $0x1000, v37;
	v52 =	vor.u32 s25, v1;
	v32 =	vor.u32 s8, v61;
	v25 =	vld.idx.msk [tilespmem:v25+s5+$0x0], $0xffff  }
0x17e: {  	v49 =	vadd.s32 $0x400, v29;
	vm0 =	vlt.f32 v30, v4;
	v45 =	vor.u32 $0xE00, v32;
	v62 =	vld.idx.msk [tilespmem:v40+s5+$0x0], $0xffff  }
0x17f: {  	v61 =	vadd.s32 $0x200, v26;
	v30 =	vsel vm0, v43, v33;
	v48 =	vadd.s32 $0x200, v24;
	v13 =	vld.idx.msk [tilespmem:v42+s5+$0x0], $0xffff  }
0x180: {  	vm0 =	vlt.f32 v28, v11;
	v27 =	vadd.s32 $0x200, v30;
	v17 =	vmul.f32 v19, v17;
	v28 =	vld.idx.msk [tilespmem:v31+s5+$0x0], $0xffff  }
0x181: {  	v21 =	vsel vm0, v2, v0;
	v53 =	vld.idx.msk [tilespmem:v26+s5+$0x0], $0xffff;
	vm0 =	vlt.f32 v22, v9;
	v22 =	vor.u32 $0x1000, v36  }
0x182: {  	v38 =	vld.idx.msk [tilespmem:v63+s5+$0x0], $0xffff;
	vm2 =	vlt.f32 v44, v12;
	vm1 =	vlt.f32 v25, v10;
	v22 =	vsel vm0, v22, v36  }
0x183: {  	v54 =	vld.idx.msk [tilespmem:v39+s5+$0x0], $0xffff;
	v25 =	vsel vm1, v2, v0;
	v46 =	vor.u32 $0x600, v22;
	vm0 =	vlt.f32 v62, v6  }
0x184: {  	v33 =	vld.idx.msk [tilespmem:v52+s5+$0x0], $0xffff;
	vm1 =	vlt.f32 v34, v3;
	v25 =	vor.u32 s6, v25;
	v29 =	vsel vm0, v49, v29  }
0x185: {  	v47 =	vld.idx.msk [tilespmem:v24+s5+$0x0], $0xffff;
	vm0 =	vlt.f32 v28, v18;
	v28 =	vadd.s32 $0x200, v31;
	v23 =	vsel vm1, v41, v23  }
0x186: {  	v27 =	vld.idx.msk [tilespmem:v27+s5+$0x0], $0xffff;
	vm1 =	vlt.f32 v53, v16;
	v31 =	vsel vm0, v28, v31;
	vm0 =	vlt.f32 v13, v8  }
0x187: {  	v55 =	vld.idx.msk [tilespmem:v45+s5+$0x0], $0xffff;
	s6 =	sand.u32 $0x60, s25;
	v26 =	vsel vm1, v61, v26;
	v37 =	vsel vm0, v50, v37;
	vm0 =	vlt.f32 v38, v5  }
0x188: {  	v13 =	vsel vm2, v2, v0;
	s24 =	sor.u32 s6, s7;
	v35 =	vsel vm0, v51, v35;
	v57 =	vor.u32 $0x600, v37;
	v56 =	vld.idx.msk [tilespmem:v46+s5+$0x0], $0xffff  }
0x189: {  	v60 =	vadd.s32 $0x400, v30;
	v28 =	vor.u32 s19, v13;
	v13 =	vld [tilespmem:s24+$0xE600];
	v59 =	vor.u32 $0x600, v35  }
0x18a: {  	v21 =	vor.u32 s22, v21;
	v42 =	vadd.f32 v17, v20;
	v49 =	vor.u32 $0x1000, v32;
	v63 =	vld.idx.msk [tilespmem:v29+s5+$0x0], $0xffff  }
0x18b: {  	v20 =	vadd.s32 $0x200, v29;
	vm0 =	vlt.f32 v27, v4;
	v27 =	vadd.s32 $0x200, v23;
	v62 =	vld.idx.msk [tilespmem:v31+s5+$0x0], $0xffff  }
0x18c: {  	v30 =	vsel vm0, v60, v30;
	vm0 =	vlt.f32 v47, v14;
	v47 =	vor.u32 $0x800, v22;
	v45 =	vld.idx.msk [tilespmem:v26+s16+$0x0], $0xffff  }
0x18d: {  	v24 =	vsel vm0, v48, v24;
	vm0 =	vlt.f32 v54, v15;
	v48 =	vld.idx.msk [tilespmem:v57+s5+$0x0], $0xffff;
	vm1 =	vlt.f32 v56, v9  }
0x18e: {  	v39 =	vsel vm0, v58, v39;
	vm0 =	vlt.f32 v55, v7;
	v41 =	vld.idx.msk [tilespmem:v59+s5+$0x0], $0xffff;
	v34 =	vsel vm1, v47, v22  }
0x18f: {  	v52 =	vadd.s32 $0x200, v31;
	v26 =	vld.idx.msk [tilespmem:v26+s17+$0x0], $0xffff;
	v32 =	vsel vm0, v49, v32;
	v50 =	vadd.s32 $0x200, v34  }
0x190: {  	v54 =	vor.u32 $0x800, v37;
	v27 =	vld.idx.msk [tilespmem:v27+s5+$0x0], $0xffff;
	v55 =	vor.u32 $0x600, v32;
	vm2 =	vlt.f32 v62, v18  }
0x191: {  	v17 =	vadd.s32 $0x200, v30;
	v51 =	vld.idx.msk [tilespmem:v30+s5+$0x0], $0xffff;
	v56 =	vor.u32 $0x800, v35;
	v31 =	vsel vm2, v52, v31  }
0x192: {  	v59 =	vor.u32 $0xE00, v21;
	vm1 =	vlt.f32 v33, v13;
	v53 =	vld.idx.msk [tilespmem:v24+s5+$0x0], $0xffff;
	vm0 =	vlt.f32 v48, v8  }
0x193: {  	v22 =	vsel vm1, v2, v0;
	v46 =	vld.idx.msk [tilespmem:v39+s16+$0x0], $0xffff;
	vm1 =	vlt.f32 v41, v5;
	v37 =	vsel vm0, v54, v37  }
0x194: {  	v16 =	vmul.f32 v45, v16;
	v35 =	vsel vm1, v56, v35;
	v38 =	vadd.s32 $0x200, v37;
	v57 =	vld.idx.msk [tilespmem:v50+s5+$0x0], $0xffff  }
0x195: {  	v58 =	vadd.s32 $0x400, v23;
	v61 =	vld.idx.msk [tilespmem:v55+s5+$0x0], $0xffff;
	vm0 =	vlt.f32 v27, v3;
	v27 =	vadd.s32 $0x200, v35  }
0x196: {  	v16 =	vadd.f32 v16, v26;
	v26 =	vor.u32 $0xE00, v25;
	v47 =	vsel vm0, v58, v23;
	v23 =	vld.idx.msk [tilespmem:v31+s16+$0x0], $0xffff  }
0x197: {  	v60 =	vadd.s32 $0x200, v24;
	v40 =	vld.idx.msk [tilespmem:v59+s5+$0x0], $0xffff;
	vm0 =	vlt.f32 v63, v6;
	vm1 =	vlt.f32 v51, v4  }
0x198: {  	v29 =	vsel vm0, v20, v29;
	v48 =	vsel vm1, v17, v30;
	vm1 =	vlt.f32 v53, v14;
	v31 =	vld.idx.msk [tilespmem:v31+s17+$0x0], $0xffff  }
0x199: {  	v20 =	vadd.s32 $0x400, v34;
	v62 =	vsel vm1, v60, v24;
	v17 =	vld.idx.msk [tilespmem:v38+s5+$0x0], $0xffff;
	vm0 =	vlt.f32 v57, v9  }
0x19a: {  	v22 =	vor.u32 s25, v22;
	v27 =	vld.idx.msk [tilespmem:v27+s5+$0x0], $0xffff;
	v34 =	vsel vm0, v20, v34  }
0x19b: {  	v55 =	vor.u32 $0x1000, v25;
	v54 =	vor.u32 $0x1000, v28;
	v59 =	vld.idx.msk [tilespmem:v26+s5+$0x0], $0xffff;
	v18 =	vmul.f32 v23, v18  }
0x19c: {  	v41 =	vor.u32 $0x1000, v22;
	v30 =	vor.u32 $0x800, v32;
	v36 =	vadd.s32 $0x200, v47;
	v63 =	vld.idx.msk [tilespmem:v47+s5+$0x0], $0xffff  }
0x19d: {  	v15 =	vmul.f32 v46, v15;
	v50 =	vld.idx.msk [tilespmem:v29+s5+$0x0], $0xffff;
	v31 =	vadd.f32 v18, v31;
	v18 =	vor.u32 $0xE00, v28  }
0x19e: {  	v58 =	vadd.s32 $0x400, v35;
	v49 =	vadd.s32 $0x200, v29;
	v20 =	vadd.s32 $0x400, v37;
	v53 =	vld.idx.msk [tilespmem:v62+s16+$0x0], $0xffff  }
0x19f: {  	vm1 =	vlt.f32 v17, v8;
	vm0 =	vlt.f32 v27, v5;
	v27 =	vor.u32 $0xE00, v22;
	v52 =	vld.idx.msk [tilespmem:v34+s5+$0x0], $0xffff  }
0x1a0: {  	v26 =	vor.u32 $0x1000, v21;
	v51 =	vld.idx.msk [tilespmem:v48+s5+$0x0], $0xffff;
	v20 =	vsel vm1, v20, v37;
	vm1 =	vlt.f32 v61, v7  }
0x1a1: {  	[tilespmem:s3+$0x16600] =	vst v19;
	v57 =	vadd.s32 $0x200, v48;
	v17 =	vld.idx.msk [tilespmem:v62+s17+$0x0], $0xffff;
	v24 =	vsel vm1, v30, v32;
	v19 =	vsel vm0, v58, v35  }
0x1a2: {  	vm1 =	vlt.f32 v40, v11;
	vm0 =	vlt.f32 v63, v3;
	v60 =	vadd.s32 $0x200, v24;
	v61 =	vld.idx.msk [tilespmem:v18+s5+$0x0], $0xffff  }
0x1a3: {  	[tilespmem:s1+$0x12600] =	vst v16;
	v16 =	vadd.s32 $0x200, v34;
	v38 =	vsel vm1, v26, v21;
	v21 =	vsel vm0, v36, v47;
	v18 =	vld.idx.msk [tilespmem:v39+s17+$0x0], $0xffff  }
0x1a4: {  	[tilespmem:s3+$0x12600] =	vst v42;
	v14 =	vmul.f32 v53, v14;
	v63 =	vor.u32 $0x600, v38;
	v62 =	vld.idx.msk [tilespmem:v27+s5+$0x0], $0xffff;
	vm0 =	vlt.f32 v52, v9  }
0x1a5: {  	[tilespmem:s4+$0x12600] =	vst v31;
	v32 =	vadd.s32 $0x400, v24;
	v30 =	vld.idx.msk [tilespmem:v20+s5+$0x0], $0xffff;
	v31 =	vsel vm0, v16, v34;
	vm0 =	vlt.f32 v50, v6  }
0x1a6: {  	[tilespmem:s4+$0x16600] =	vst v23;
	v23 =	vadd.s32 $0x200, v19;
	vm1 =	vlt.f32 v51, v4;
	v33 =	vld.idx.msk [tilespmem:v19+s5+$0x0], $0xffff;
	v34 =	vsel vm0, v49, v29  }
0x1a7: {  	[tilespmem:s1+$0x16600] =	vst v45;
	v26 =	vadd.s32 $0x200, v21;
	v43 =	vld.idx.msk [tilespmem:v60+s5+$0x0], $0xffff;
	v16 =	vsel vm1, v57, v48;
	vm0 =	vlt.f32 v59, v10  }
0x1a8: {  	[tilespmem:s10+$0x16600] =	vst v53;
	v27 =	vadd.s32 $0x200, v20;
	v39 =	vld.idx.msk [tilespmem:v21+s5+$0x0], $0xffff;
	v40 =	vsel vm0, v55, v25;
	vm0 =	vlt.f32 v61, v12  }
0x1a9: {  	s0 =	sadd.s32 $0x1, s0;
	s3 =	simm.s32 $0x100;
	s1 =	simm.s32 $0xC;
	[tilespmem:s9+$0x16600] =	vst v46;
	v35 =	vld.idx.msk [tilespmem:v63+s5+$0x0], $0xffff;
	v36 =	vor.u32 $0x600, v40;
	v42 =	vsel vm0, v54, v28;
	vm0 =	vlt.f32 v62, v13  }
.LBB2_9:
0x1aa: {  	s4 =	sand.u32 $0x1C0, s3;
	s2 =	sand.u32 $0x40, s3;
	v37 =	vor.u32 $0x600, v42;
	v44 =	vor.u32 $0x800, v42;
	v28 =	vsel vm0, v41, v22;
	v22 =	vld.idx.msk [tilespmem:v31+s5+$0x0], $0xffff  }
0x1ab: {  	s1 =	sadd.s32 $0x4, s1;
	v41 =	vor.u32 s4, v1;
	s6 =	sor.u32 $0x10, s4;
	s8 =	sor.u32 $0x30, s4;
	v45 =	vor.u32 $0x600, v28;
	v29 =	vor.u32 $0x800, v28;
	v46 =	vld.idx.msk [tilespmem:v34+s16+$0x0], $0xffff  }
0x1ac: {  	v49 =	vor.u32 $0x800, v40;
	s7 =	sor.u32 $0x20, s4;
	p0 =	slt.u32 s1, $0x1FC;
	s18 =	sand.u32 $0x50, s6;
	v47 =	vor.u32 s6, v1;
	v48 =	vor.u32 s8, v1;
	v25 =	vld.idx.msk [tilespmem:v16+s16+$0x0], $0xffff  }
0x1ad: {  	s28 =	sadd.s32 $0x200, s28;
	vm0 =	vlt.f32 v30, v8;
	vm1 =	vlt.f32 v43, v7;
	s19 =	sand.u32 $0x60, s7;
	v50 =	vor.u32 s7, v1;
	v43 =	vld.idx.msk [tilespmem:v34+s17+$0x0], $0xffff  }
0x1ae: {  	s22 =	sand.u32 $0x1000, s3;
	s29 =	sadd.s32 $0x10, s29;
	s25 =	sand.u32 $0xC00, s28;
	v30 =	vsel vm1, v32, v24;
	vm2 =	vlt.f32 v35, v11;
	v34 =	vor.u32 $0x800, v38;
	v51 =	vld.idx.msk [tilespmem:v36+s5+$0x0], $0xffff  }
0x1af: {  	s22 =	sor.u32 s25, s22;
	s25 =	sand.u32 $0x380, s29;
	vm1 =	vlt.f32 v33, v5;
	v33 =	vadd.s32 $0x200, v30;
	v32 =	vsel vm2, v34, v38;
	v24 =	vld.idx.msk [tilespmem:v37+s5+$0x0], $0xffff  }
0x1b0: {  	s25 =	sor.u32 s25, s22;
	s22 =	sand.u32 $0x70, s8;
	vm2 =	vlt.f32 v22, v9;
	v22 =	vadd.s32 $0x200, v31;
	v38 =	vld.idx.msk [tilespmem:v41+s5+$0x0], $0xffff;
	v41 =	vadd.s32 $0x200, v32  }
0x1b1: {  	v35 =	vsel vm0, v27, v20;
	s2 =	sor.u32 s2, s25;
	s18 =	sor.u32 s18, s25;
	s22 =	sor.u32 s22, s25;
	v34 =	vsel vm1, v23, v19;
	v19 =	vsel vm2, v22, v31;
	v48 =	vld.idx.msk [tilespmem:v48+s5+$0x0], $0xffff  }
0x1b2: {  	s19 =	sor.u32 s19, s25;
	vm0 =	vlt.f32 v39, v3;
	v36 =	vadd.s32 $0x200, v34;
	v37 =	vadd.s32 $0x200, v35;
	v20 =	vld [tilespmem:s22+$0xE600];
	[tilespmem:s14+$0x16600] =	vst v46  }
0x1b3: {  	v21 =	vsel vm0, v26, v21;
	v6 =	vmul.f32 v46, v6;
	v4 =	vmul.f32 v25, v4;
	v22 =	vld.idx.msk [tilespmem:v47+s5+$0x0], $0xffff  }
0x1b4: {  	v18 =	vadd.f32 v15, v18;
	v14 =	vadd.f32 v14, v17;
	vm0 =	vlt.f32 v51, v10;
	v23 =	vld.idx.msk [tilespmem:v50+s5+$0x0], $0xffff  }
0x1b5: {  	v43 =	vadd.f32 v6, v43;
	v17 =	vsel vm0, v49, v40;
	vm0 =	vlt.f32 v24, v12;
	v24 =	vld.idx.msk [tilespmem:v41+s5+$0x0], $0xffff  }
0x1b6: {  	v15 =	vmovc v4;
	v26 =	vadd.s32 $0x200, v17;
	v27 =	vadd.s32 $0x400, v17;
	v31 =	vsel vm0, v44, v42;
	v39 =	vld.idx.msk [tilespmem:v19+s16+$0x0], $0xffff;
	[tilespmem:s10+$0x12600] =	vst v14;
	s10 =	smov.u32 s12;
	s12 =	smov.u32 s15;
	s15 =	smov.u32 s24  }
0x1b7: {  	v4 =	vmovc v5;
	v5 =	vmovc v10;
	v14 =	vadd.s32 $0x200, v31;
	v40 =	vadd.s32 $0x400, v31;
	vm0 =	vlt.f32 v48, v20;
	[tilespmem:s14+$0x12600] =	vst v43;
	v10 =	vld [tilespmem:s2+$0xE600];
	s14 =	smov.u32 s31;
	s31 =	smov.u32 s23;
	s23 =	smov.u32 s18  }
0x1b8: {  	v6 =	vmov v8;
	v8 =	vmov v12;
	v41 =	vsel vm0, v2, v0;
	v19 =	vld.idx.msk [tilespmem:v19+s17+$0x0], $0xffff;
	[tilespmem:s9+$0x12600] =	vst v18;
	s9 =	smov.u32 s11;
	s11 =	smov.u32 s30;
	s30 =	smov.u32 s13  }
0x1b9: {  	s24 =	smov.u32 s19;
	s13 =	smov.u32 s2;
	v12 =	vld [tilespmem:s23+$0xE600];
	v18 =	vor.u32 s8, v41  }
0x1ba: {  	v42 =	vld [tilespmem:s24+$0xE600];
	v41 =	vor.u32 $0xE00, v18  }
0x1bb: {  	v43 =	vld.idx.msk [tilespmem:v45+s5+$0x0], $0xffff  }
0x1bc: {  	vm0 =	vlt.f32 v24, v11;
	v24 =	vadd.s32 $0x400, v32;
	v44 =	vmul.f32 v39, v9;
	v14 =	vld.idx.msk [tilespmem:v14+s5+$0x0], $0xffff;
	[tilespmem:s20+$0x16600] =	vst v39  }
0x1bd: {  	v9 =	vmovc v11;
	v11 =	vmov v20;
	vm1 =	vlt.f32 v38, v10;
	v39 =	vsel vm0, v24, v32;
	v26 =	vld.idx.msk [tilespmem:v26+s5+$0x0], $0xffff  }
0x1be: {  	v20 =	vsel vm1, v2, v0;
	v19 =	vadd.f32 v44, v19;
	vm0 =	vlt.f32 v22, v12;
	v45 =	vld.idx.msk [tilespmem:v30+s5+$0x0], $0xffff  }
0x1bf: {  	v44 =	vor.u32 s4, v20;
	v20 =	vsel vm0, v2, v0;
	vm0 =	vlt.f32 v23, v42;
	v23 =	vld.idx.msk [tilespmem:v41+s5+$0x0], $0xffff  }
0x1c0: {  	v32 =	vor.u32 $0xE00, v44;
	v46 =	vor.u32 s6, v20;
	v20 =	vsel vm0, v2, v0;
	v47 =	vld.idx.msk [tilespmem:v35+s5+$0x0], $0xffff;
	[tilespmem:s20+$0x12600] =	vst v19;
	s20 =	smov.u32 s21;
	s21 =	smov.u32 s22  }
0x1c1: {  	v38 =	vor.u32 $0xE00, v46;
	v48 =	vor.u32 $0x1000, v46;
	v22 =	vor.u32 s7, v20;
	v49 =	vld.idx.msk [tilespmem:v34+s5+$0x0], $0xffff  }
0x1c2: {  	v50 =	vor.u32 $0x1000, v44;
	v51 =	vor.u32 $0xE00, v22;
	v41 =	vor.u32 $0x1000, v22;
	v52 =	vld.idx.msk [tilespmem:v39+s5+$0x0], $0xffff  }
0x1c3: {  	vm2 =	vlt.f32 v43, v13;
	vm1 =	vlt.f32 v14, v8;
	vm0 =	vlt.f32 v26, v5;
	v14 =	vld.idx.msk [tilespmem:v21+s16+$0x0], $0xffff  }
0x1c4: {  	v24 =	vsel vm2, v29, v28;
	v20 =	vsel vm1, v40, v31;
	v19 =	vsel vm0, v27, v17;
	v17 =	vld.idx.msk [tilespmem:v21+s17+$0x0], $0xffff  }
0x1c5: {  	v26 =	vadd.s32 $0x200, v24;
	vm0 =	vlt.f32 v23, v11;
	v21 =	vor.u32 $0x1000, v18;
	v28 =	vld.idx.msk [tilespmem:v32+s5+$0x0], $0xffff  }
0x1c6: {  	v32 =	vadd.s32 $0x400, v24;
	v29 =	vld.idx.msk [tilespmem:v38+s5+$0x0], $0xffff;
	v38 =	vsel vm0, v21, v18;
	vm0 =	vlt.f32 v45, v7  }
0x1c7: {  	v27 =	vadd.s32 $0x200, v20;
	v23 =	vadd.s32 $0x200, v19;
	v45 =	vld.idx.msk [tilespmem:v51+s5+$0x0], $0xffff;
	v51 =	vor.u32 $0x600, v38  }
0x1c8: {  	v31 =	vadd.s32 $0x200, v39;
	vm1 =	vlt.f32 v52, v9;
	v21 =	vsel vm0, v33, v30;
	v18 =	vld.idx.msk [tilespmem:v16+s17+$0x0], $0xffff;
	[tilespmem:s9+$0x16600] =	vst v25  }
.Ltmp4:
0x1c9: {  	vm0 =	vlt.f32 v49, v4;
	v31 =	vsel vm1, v31, v39;
	vm1 =	vlt.f32 v47, v6;
	v30 =	vld.idx.msk [tilespmem:v20+s5+$0x0], $0xffff;
	(pc) =	sbr.rel @p0 .LBB2_9-.Ltmp4, $4  }
0x1ca: {  	v16 =	vsel vm0, v36, v34;
	v34 =	vsel vm1, v37, v35;
	v43 =	vld.idx.msk [tilespmem:v26+s5+$0x0], $0xffff;
	v26 =	vadd.s32 $0x200, v21;
	[tilespmem:s10+$0x16600] =	vst v14  }
0x1cb: {  	vm0 =	vlt.f32 v28, v10;
	v14 =	vmul.f32 v14, v3;
	v3 =	vmovc v7;
	v7 =	vmov v13;
	v33 =	vld.idx.msk [tilespmem:v19+s5+$0x0], $0xffff  }
0x1cc: {  	v13 =	vmov v42;
	v40 =	vsel vm0, v50, v44;
	vm0 =	vlt.f32 v29, v12;
	v35 =	vld.idx.msk [tilespmem:v51+s5+$0x0], $0xffff  }
0x1cd: {  	s3 =	sadd.s32 $0x40, s3;
	v36 =	vor.u32 $0x600, v40;
	v42 =	vsel vm0, v48, v46;
	vm0 =	vlt.f32 v45, v13;
	v39 =	vld.idx.msk [tilespmem:v21+s5+$0x0], $0xffff  }
0x1ce: {  	v25 =	vor.u32 $0x600, v42  }
0x1cf: {  	v22 =	vsel vm0, v41, v22  }
0x1d0: {  	v28 =	vor.u32 $0x600, v22;
	_ =	sdelay $0x1  }
0x1d1: {  	v29 =	vor.u32 $0x800, v38;
	vm4 =	vlt.f32 v35, v11  }
0x1d2: {  	v29 =	vsel vm4, v29, v38;
	v25 =	vld.idx.msk [tilespmem:v25+s5+$0x0], $0xffff  }
0x1d3: {  	v51 =	vadd.s32 $0x200, v29  }
0x1d4: {  	v28 =	vld.idx.msk [tilespmem:v28+s5+$0x0], $0xffff  }
0x1d5: {  	v36 =	vld.idx.msk [tilespmem:v36+s5+$0x0], $0xffff;
	_ =	sdelay $0x1  }
0x1d6: {  	v37 =	vor.u32 $0x800, v42;
	vm5 =	vlt.f32 v25, v12  }
0x1d7: {  	v35 =	vld.idx.msk [tilespmem:v51+s5+$0x0], $0xffff;
	v25 =	vsel vm5, v37, v42  }
0x1d8: {  	v52 =	vor.u32 $0x800, v22;
	vm6 =	vlt.f32 v28, v13;
	v37 =	vadd.s32 $0x200, v25  }
0x1d9: {  	v53 =	vor.u32 $0x800, v40;
	vm1 =	vlt.f32 v36, v10;
	v22 =	vsel vm6, v52, v22  }
0x1da: {  	v28 =	vsel vm1, v53, v40;
	v54 =	vadd.s32 $0x200, v22  }
0x1db: {  	v55 =	vadd.s32 $0x200, v28  }
0x1dc: {  	v56 =	vadd.s32 $0x400, v29;
	vm7 =	vlt.f32 v35, v11  }
0x1dd: {  	v29 =	vsel vm7, v56, v29;
	v37 =	vld.idx.msk [tilespmem:v37+s5+$0x0], $0xffff  }
0x1de: {  	v57 =	vld.idx.msk [tilespmem:v31+s5+$0x0], $0xffff  }
0x1df: {  	vm11 =	vlt.f32 v30, v8;
	v58 =	vld.idx.msk [tilespmem:v54+s5+$0x0], $0xffff  }
0x1e0: {  	vm8 =	vlt.f32 v43, v7;
	v20 =	vsel vm11, v27, v20;
	v60 =	vld.idx.msk [tilespmem:v55+s5+$0x0], $0xffff  }
0x1e1: {  	v63 =	vld.idx.msk [tilespmem:v34+s16+$0x0], $0xffff;
	v24 =	vsel vm8, v32, v24;
	vm4 =	vlt.f32 v39, v3  }
0x1e2: {  	v21 =	vsel vm4, v26, v21;
	v59 =	vadd.s32 $0x400, v25;
	v62 =	vld.idx.msk [tilespmem:v29+s5+$0x0], $0xffff;
	vm9 =	vlt.f32 v37, v12  }
0x1e3: {  	v41 =	vld.idx.msk [tilespmem:v34+s17+$0x0], $0xffff;
	v25 =	vsel vm9, v59, v25  }
0x1e4: {  	vm15 =	vlt.f32 v33, v5;
	v32 =	vld.idx.msk [tilespmem:v16+s17+$0x0], $0xffff;
	v42 =	vadd.s32 $0x400, v22;
	vm12 =	vlt.f32 v58, v13  }
0x1e5: {  	v48 =	vld.idx.msk [tilespmem:v20+s5+$0x0], $0xffff;
	v43 =	vadd.s32 $0x400, v28;
	vm13 =	vlt.f32 v60, v10;
	v22 =	vsel vm12, v42, v22  }
0x1e6: {  	v19 =	vsel vm15, v23, v19;
	v44 =	vld.idx.msk [tilespmem:v24+s5+$0x0], $0xffff;
	v28 =	vsel vm13, v43, v28  }
0x1e7: {  	vm10 =	vlt.f32 v57, v9;
	v57 =	vld.idx.msk [tilespmem:v21+s16+$0x0], $0xffff;
	v45 =	vadd.s32 $0x200, v29;
	vm14 =	vlt.f32 v62, v11  }
0x1e8: {  	v61 =	vadd.s32 $0x200, v31;
	v29 =	vsel vm14, v45, v29;
	v46 =	vld.idx.msk [tilespmem:v25+s5+$0x0], $0xffff  }
0x1e9: {  	v40 =	vsel vm10, v61, v31;
	v31 =	vld.idx.msk [tilespmem:v16+s16+$0x0], $0xffff  }
0x1ea: {  	v51 =	vld.idx.msk [tilespmem:v22+s5+$0x0], $0xffff  }
0x1eb: {  	v50 =	vadd.s32 $0x200, v24;
	vm5 =	vlt.f32 v44, v7;
	v53 =	vld.idx.msk [tilespmem:v28+s5+$0x0], $0xffff  }
0x1ec: {  	v24 =	vsel vm5, v50, v24;
	v56 =	vld.idx.msk [tilespmem:v19+s5+$0x0], $0xffff;
	vm7 =	vlt.f32 v48, v8;
	v55 =	vadd.s32 $0x200, v20  }
0x1ed: {  	v20 =	vsel vm7, v55, v20;
	v52 =	vadd.s32 $0x200, v25;
	v54 =	vld.idx.msk [tilespmem:v29+s5+$0x0], $0xffff;
	vm6 =	vlt.f32 v46, v12  }
0x1ee: {  	v14 =	vadd.f32 v14, v17;
	v15 =	vadd.f32 v15, v18;
	v47 =	vld.idx.msk [tilespmem:v40+s16+$0x0], $0xffff;
	v25 =	vsel vm6, v52, v25  }
0x1ef: {  	v6 =	vmul.f32 v63, v6;
	v49 =	vld.idx.msk [tilespmem:v40+s17+$0x0], $0xffff;
	v59 =	vadd.s32 $0x200, v22;
	vm8 =	vlt.f32 v51, v13  }
0x1f0: {  	v58 =	vld.idx.msk [tilespmem:v21+s17+$0x0], $0xffff;
	v60 =	vadd.s32 $0x200, v28;
	vm9 =	vlt.f32 v53, v10;
	v21 =	vsel vm8, v59, v22  }
0x1f1: {  	[tilespmem:s10+$0x12600] =	vst v14;
	v35 =	vadd.s32 $0x200, v19;
	v61 =	vld.idx.msk [tilespmem:v24+s5+$0x0], $0xffff;
	vm11 =	vlt.f32 v56, v5;
	v28 =	vsel vm9, v60, v28  }
0x1f2: {  	[tilespmem:s14+$0x16600] =	vst v63;
	v40 =	vsel vm11, v35, v19;
	v34 =	vld.idx.msk [tilespmem:v20+s16+$0x0], $0xffff;
	v62 =	vadd.s32 $0x200, v29;
	vm10 =	vlt.f32 v54, v11  }
0x1f3: {  	v6 =	vadd.f32 v6, v41;
	v4 =	vmul.f32 v31, v4;
	v22 =	vsel vm10, v62, v29;
	v63 =	vld.idx.msk [tilespmem:v25+s5+$0x0], $0xffff  }
0x1f4: {  	[tilespmem:s9+$0x12600] =	vst v15;
	v39 =	vld.idx.msk [tilespmem:v20+s17+$0x0], $0xffff  }
0x1f5: {  	[tilespmem:s14+$0x12600] =	vst v6;
	v4 =	vadd.f32 v4, v32;
	v27 =	vmul.f32 v47, v9;
	v42 =	vld.idx.msk [tilespmem:v21+s5+$0x0], $0xffff  }
0x1f6: {  	v41 =	vadd.s32 $0x200, v24;
	[tilespmem:s11+$0x16600] =	vst v31;
	vm12 =	vlt.f32 v61, v7;
	v44 =	vld.idx.msk [tilespmem:v28+s5+$0x0], $0xffff  }
0x1f7: {  	[tilespmem:s11+$0x12600] =	vst v4;
	v38 =	vadd.f32 v27, v49;
	v18 =	vsel vm12, v41, v24;
	v49 =	vld.idx.msk [tilespmem:v40+s16+$0x0], $0xffff  }
0x1f8: {  	v3 =	vmul.f32 v57, v3;
	[tilespmem:s20+$0x16600] =	vst v47;
	v43 =	vadd.s32 $0x200, v25;
	v45 =	vld.idx.msk [tilespmem:v22+s16+$0x0], $0xffff;
	vm13 =	vlt.f32 v63, v12  }
0x1f9: {  	[tilespmem:s12+$0x16600] =	vst v57;
	v56 =	vld.idx.msk [tilespmem:v40+s17+$0x0], $0xffff;
	v47 =	vmul.f32 v34, v8;
	v20 =	vsel vm13, v43, v25  }
0x1fa: {  	[tilespmem:s20+$0x12600] =	vst v38;
	v3 =	vadd.f32 v3, v58;
	v50 =	vadd.s32 $0x200, v21;
	v48 =	vld.idx.msk [tilespmem:v22+s17+$0x0], $0xffff;
	vm14 =	vlt.f32 v42, v13  }
0x1fb: {  	[tilespmem:s31+$0x16600] =	vst v34;
	v46 =	vadd.s32 $0x200, v28;
	vm15 =	vlt.f32 v44, v10;
	v14 =	vsel vm14, v50, v21  }
0x1fc: {  	v8 =	vadd.f32 v47, v39;
	v51 =	vld.idx.msk [tilespmem:v18+s16+$0x0], $0xffff;
	v60 =	vmul.f32 v49, v5;
	v52 =	vsel vm15, v46, v28  }
0x1fd: {  	[tilespmem:s12+$0x12600] =	vst v3;
	v54 =	vld.idx.msk [tilespmem:v18+s17+$0x0], $0xffff;
	v3 =	vmul.f32 v45, v11  }
0x1fe: {  	[tilespmem:s31+$0x12600] =	vst v8;
	v5 =	vadd.f32 v60, v56;
	v53 =	vld.idx.msk [tilespmem:v20+s16+$0x0], $0xffff  }
0x1ff: {  	[tilespmem:s30+$0x16600] =	vst v49;
	v3 =	vadd.f32 v3, v48;
	v55 =	vld.idx.msk [tilespmem:v20+s17+$0x0], $0xffff  }
0x200: {  	[tilespmem:s30+$0x12600] =	vst v5;
	v57 =	vld.idx.msk [tilespmem:v14+s16+$0x0], $0xffff  }
0x201: {  	v58 =	vld.idx.msk [tilespmem:v52+s16+$0x0], $0xffff;
	[tilespmem:s21+$0x12600] =	vst v3;
	v3 =	vmul.f32 v51, v7  }
0x202: {  	[tilespmem:s15+$0x16600] =	vst v51;
	v61 =	vld.idx.msk [tilespmem:v14+s17+$0x0], $0xffff  }
0x203: {  	[tilespmem:s21+$0x16600] =	vst v45;
	v62 =	vld.idx.msk [tilespmem:v52+s17+$0x0], $0xffff;
	v3 =	vadd.f32 v3, v54  }
0x204: {  	v59 =	vmul.f32 v53, v12;
	[tilespmem:s23+$0x16600] =	vst v53  }
0x205: {  	[tilespmem:s15+$0x12600] =	vst v3;
	v3 =	vmul.f32 v57, v13  }
0x206: {  	v63 =	vmul.f32 v58, v10;
	[tilespmem:s13+$0x16600] =	vst v58;
	v4 =	vadd.f32 v59, v55  }
0x207: {  	[tilespmem:s24+$0x16600] =	vst v57;
	v3 =	vadd.f32 v3, v61  }
0x208: {  	[tilespmem:s23+$0x12600] =	vst v4;
	v4 =	vadd.f32 v63, v62  }
0x209: {  	[tilespmem:s24+$0x12600] =	vst v3  }
0x20a: {  	s3 =	simm.s32 $0x1000;
	p0 =	sne.s32 s0, $0x40;
	[tilespmem:s13+$0x12600] =	vst v4  }
.Ltmp5:
0x20b: {  	s4 =	simm.s32 $0x4000;
	s6 =	rddreg [dreg:$0xf];
	(pc) =	sbr.rel @p0 .LBB2_2-.Ltmp5, $4  }
0x20c: {  	s2 =	simm.s32 $0x12600;
	s30 =	rddreg [dreg:$0x3];
	s1 =	sadd.s32 s26, s6  }
0x20d: {  	[hbm4b:s1+s3] =	stream.strided.scatter [tilespmem:s2], [sflag:$0x4], $0x2000, s4, s3, $0x38;
	[tilespmem:$0x18600] =	vst v63  }
0x20e: {  	s31 =	simm.s32 $0x16600;
	s1 =	sadd.s32 s30, s6  }
0x20f: {  	[hbm4b:s1+s3] =	stream.strided.scatter [tilespmem:s31], [sflag:$0x4], $0x2000, s4, s3, $0x38;
	[tilespmem:$0x18600] =	vst v63  }
0x210: {  	s0 =	simm.s32 $0x3  }
0x211: {  	_ =	swait.ge [sflag:s0], $0x2000  }
0x212: {  	[sflag:s0] =	ssyncset.done $0x0  }
0x213: {  	[sflag:s0] =	ssyncadd.s32 $0xFFFFE000  }
0x214: {  	_ =	swait.ge [sflag:s0], $0x2000  }
0x215: {  	[sflag:s0] =	ssyncset.done $0x0  }
0x216: {  	s1 =	simm.s32 $0x4;
	[sflag:s0] =	ssyncadd.s32 $0xFFFFE000  }
0x217: {  	_ =	swait.ge [sflag:s1], $0x2000  }
0x218: {  	[sflag:s1] =	ssyncset.done $0x0  }
0x219: {  	[sflag:s1] =	ssyncadd.s32 $0xFFFFE000  }
0x21a: {  	_ =	swait.ge [sflag:s1], $0x2000  }
0x21b: {  	s2 =	rddreg [dreg:$0xe]  }
0x21c: {  	s31 =	rddreg [dreg:$0xd];
	s2 =	sadd.s32 $0x1, s2  }
0x21d: {  	p0 =	sne.s32 s2, s31  }
.Ltmp6:
0x21e: {  	_ = 	snop;
	(pc) =	sbr.rel @p0 .LBB2_1-.Ltmp6, $3  }
0x21f: {  	_ =	sdelay $0x1  }
0x220: {  	[sflag:s1] =	ssyncset.done $0x0  }
0x221: {  	[sflag:s1] =	ssyncadd.s32 $0xFFFFE000  }
0x222: {  	_ =	sfence.sel $0x180000  }
0x223: {  	[bflag:$0x0] =	sbarrier.arrive $0xFFFF  }
0x224: {  	_ =	strace $0x90000047  }
0x225: {  	s0 =	stileid.u32;
	[bflag:$0x2] =	sbarrier.arrive $0xFFFF  }
0x226: {  	p0 =	sne.s32 s0, $0x0;
	s0 =	rddreg [dreg:$0x4]  }
0x227: {  	s0 =	sadd.s32 @!p0 $0x100000, s0  }
0x228: {  	[sflag:s0] =	ssyncadd.tile.s32 @!p0 $0x1;
	_ =	shalt  }
.Lfunc_end2:
_tile_overlayer_lowered:
.L_overlay_start_2:
0x229: {  	(tag) =	ssettag $0x2  }
0x22a: {  	s0 =	rddreg [dreg:$0x0];
	s2 =	stileid.u32  }
0x22b: {  	s1 =	rddreg [dreg:$0x1];
	p0 =	sne.s32 s2, $0x0  }
0x22c: {  	s3 =	rddreg [dreg:$0x2];
	[bflag:$0x3] =	sbarrier.arrive $0xFFFF;
	s2 =	simm.s32 @!p0 $0x1C05  }
0x22d: {  	[timem:s3], [sflag:s2] =	dma.local @!p0 [hbm:s0], s1  }
0x22e: {  	s0 =	simm.s32 @!p0 $0x5  }
0x22f: {  	_ =	swait.ge @!p0 [sflag:s0], s1  }
0x230: {  	s1 =	ssub.s32 @!p0 $0x0, s1;
	[sflag:s0] =	ssyncset.done @!p0 $0x0  }
0x231: {  	[sflag:s0] =	ssyncadd.s32 @!p0 s1  }
0x232: {  	[bflag:$0x3] =	sbarrier.arrive $0xFFFF  }
0x233: {  	_ =	shalt  }

</sc_bundles>
